<compile_context>
chip_gen: v7x
topology: tpu7x:2x2x1
jax: 0.10.2.dev20260603
libtpu: 0.0.44.dev20260713+nightly
codegen_flags: <defaults>
</compile_context>

<pallas_src>
import functools

import jax
import jax.numpy as jnp
from jax import lax
from jax.experimental import pallas as pl
from jax.experimental.pallas import tpu as pltpu
from jax.experimental.pallas import tpu_sc as plsc

_M0 = 0.05
_NITER = 11
_LO0 = -0.0078125
_S_TC = 928



_TREE = 5


def _dtm_tc_body(wf_ref, wcol_ref, dist_ref, o_ref,
                 d2t_ref, cmax_ref, pscr_ref, bscr_ref):
    S = o_ref.shape[2]
    pid = pl.program_id(0)

    @pl.when(pid == 0)
    def _():
        d = dist_ref[...]
        d2 = d * d
        d2t_ref[...] = d2
        cm = jnp.max(d2, axis=0, keepdims=True)
        cmax_ref[...] = cm
        wf = wf_ref[...]
        b48 = _M0 * jnp.sum(wf, axis=1, keepdims=True)
        bscr_ref[...] = b48
        span = cm - _LO0
        wbf = wf.astype(jnp.bfloat16)
        p = jnp.zeros((wf.shape[0], S), jnp.int32)
        for k in range(1, _TREE + 1):
            ws = []
            for m in range(2 ** (k - 1)):
                theta = _LO0 + ((2 * m + 1) / 2 ** k) * span
                mask = jnp.where(d2 <= theta, 1.0, 0.0).astype(jnp.bfloat16)
                ws.append(jax.lax.dot_general(
                    wbf, mask, (((1,), (0,)), ((), ())),
                    preferred_element_type=jnp.float32))
            wsel = ws[0]
            for m in range(1, 2 ** (k - 1)):
                wsel = jnp.where(p == m, ws[m], wsel)
            ge = wsel >= b48
            p = 2 * p + jnp.where(ge, 0, 1)
        pscr_ref[...] = p

    d2 = d2t_ref[...]
    cell = (cmax_ref[...] - _LO0) * (1.0 / 2 ** _TREE)
    pbc = pscr_ref[pl.ds(pid, 1), :].astype(jnp.float32)
    bound = bscr_ref[pl.ds(pid, 1), :]
    wcol = wcol_ref[0, :, :]
    lo = _LO0 + pbc * cell
    hi = lo + cell

    def body(_, carry):
        lo_, hi_ = carry
        mid = 0.5 * (lo_ + hi_)
        wm = jnp.sum(jnp.where(d2 <= mid, wcol, 0.0), axis=0, keepdims=True)
        ge = wm >= bound
        return jnp.where(ge, lo_, mid), jnp.where(ge, mid, hi_)

    lo, hi = jax.lax.fori_loop(0, _NITER - _TREE, body, (lo, hi))
    t2 = 0.5 * (lo + hi)
    below = d2 <= lo
    wb = jnp.sum(jnp.where(below, wcol, 0.0), axis=0, keepdims=True)
    sb = jnp.sum(jnp.where(below, wcol * d2, 0.0), axis=0, keepdims=True)
    val = jnp.maximum(sb + t2 * (bound - wb), 0.0)
    o_ref[...] = jnp.sqrt(val / bound).reshape(o_ref.shape)


def _dtm_tc(weight, dist_cols):
    bc, hw = weight.shape
    s = dist_cols.shape[1]
    return pl.pallas_call(
        _dtm_tc_body,
        grid=(bc,),
        in_specs=[
            pl.BlockSpec((bc, hw), lambda i: (0, 0)),
            pl.BlockSpec((1, hw, 1), lambda i: (i, 0, 0)),
            pl.BlockSpec((hw, s), lambda i: (0, 0)),
        ],
        out_specs=pl.BlockSpec((1, 1, s), lambda i: (i, 0, 0)),
        out_shape=jax.ShapeDtypeStruct((bc, 1, s), jnp.float32),
        scratch_shapes=[pltpu.VMEM((hw, s), jnp.float32),
                        pltpu.VMEM((1, s), jnp.float32),
                        pltpu.VMEM((bc, s), jnp.int32),
                        pltpu.VMEM((bc, 1), jnp.float32)],
    )(weight, weight.reshape(bc, hw, 1), dist_cols)



def _dtm_sc(weight, dist_flat, nr):
    BC, HW = weight.shape
    NR = nr
    NW = 32
    RPW = NR // NW
    NCH = HW // 16
    UNR = 8
    mesh = plsc.VectorSubcoreMesh(core_axis_name="c", subcore_axis_name="s")

    _gdn = lax.GatherDimensionNumbers(
        offset_dims=(), collapsed_slice_dims=(0,), start_index_map=(0,))

    def _butterfly(v, op):
        idx = lax.iota(jnp.int32, 16)
        for s in (8, 4, 2, 1):
            sh = lax.gather(v, (idx ^ s)[:, None], _gdn, slice_sizes=(1,),
                            mode=lax.GatherScatterMode.PROMISE_IN_BOUNDS)
            v = op(v, sh)
        return v[0]

    @functools.partial(
        pl.kernel,
        out_type=jax.ShapeDtypeStruct((NR * BC,), jnp.float32),
        mesh=mesh,
        scratch_types=[
            pltpu.VMEM((RPW * HW,), jnp.float32),
            pltpu.VMEM((BC, HW), jnp.float32),
            pltpu.VMEM((RPW * BC,), jnp.float32),
            pltpu.SMEM((64,), jnp.float32),
            pltpu.SMEM((RPW,), jnp.float32),
        ],
    )
    def k(w_hbm, dist_hbm, out_hbm, drows, wts, outc, bnds, rmax):
        wid = lax.axis_index("s") * 2 + lax.axis_index("c")
        base = wid * RPW
        pltpu.sync_copy(dist_hbm.at[pl.ds(base * HW, RPW * HW)], drows)
        pltpu.sync_copy(w_hbm, wts)

        zeros16 = jnp.zeros((16,), jnp.float32)

        def bc_bound(bc, _):
            def acc_fn(c, acc):
                return acc + wts[bc, pl.ds(c * 16, 16)]
            acc = lax.fori_loop(0, NCH, acc_fn, zeros16)
            bnds[bc] = _M0 * _butterfly(acc, jnp.add)
            return 0
        lax.fori_loop(0, BC, bc_bound, 0)

        def sq_row(r, _):
            def sq_c(c, mx):
                v = drows[pl.ds(r * HW + c * 16, 16)]
                v2 = v * v
                drows[pl.ds(r * HW + c * 16, 16)] = v2
                return jnp.maximum(mx, v2)
            mx = lax.fori_loop(0, NCH, sq_c, jnp.full((16,), -1.0, jnp.float32))
            rmax[r] = _butterfly(mx, jnp.maximum)
            return 0
        lax.fori_loop(0, RPW, sq_row, 0)

        def row_fn(r, _):
            hi0 = rmax[r]
            lane = lax.iota(jnp.int32, 16)

            def grp_fn(grp, _2):
                def bc_fn(j, vb):
                    bc = grp * 16 + j
                    bound = bnds[bc]

                    def it_fn(it, lh):
                        lo_, hi_ = lh
                        mid = 0.5 * (lo_ + hi_)

                        def acc_fn(g, acc):
                            for u in range(UNR):
                                off = (g * UNR + u) * 16
                                d2v = drows[pl.ds(r * HW + off, 16)]
                                wv = wts[bc, pl.ds(off, 16)]
                                acc = acc + jnp.where(d2v <= mid, wv, 0.0)
                            return acc
                        acc = lax.fori_loop(0, NCH // UNR, acc_fn, zeros16)
                        ge = _butterfly(acc, jnp.add) >= bound
                        return (jnp.where(ge, lo_, mid),
                                jnp.where(ge, mid, hi_))

                    lo, hi_f = lax.fori_loop(
                        0, _NITER, it_fn, (jnp.float32(_LO0), hi0))
                    t2 = 0.5 * (lo + hi_f)

                    def bs_fn(g, wbsb):
                        wb, sb = wbsb
                        for u in range(UNR):
                            off = (g * UNR + u) * 16
                            d2v = drows[pl.ds(r * HW + off, 16)]
                            wv = wts[bc, pl.ds(off, 16)]
                            below = d2v <= lo
                            wb = wb + jnp.where(below, wv, 0.0)
                            sb = sb + jnp.where(below, wv * d2v, 0.0)
                        return (wb, sb)
                    wb, sb = lax.fori_loop(
                        0, NCH // UNR, bs_fn, (zeros16, zeros16))
                    val = jnp.maximum(
                        _butterfly(sb, jnp.add)
                        + t2 * (bound - _butterfly(wb, jnp.add)), 0.0)
                    vals, bvec = vb
                    return (jnp.where(lane == j, val, vals),
                            jnp.where(lane == j, bound, bvec))

                vals, bvec = lax.fori_loop(0, 16, bc_fn, (zeros16, zeros16))
                x = vals / bvec
                s = 0.25 + 0.5 * x
                for _n in range(8):
                    s = 0.5 * (s + x / s)
                outc[pl.ds(r * BC + grp * 16, 16)] = s
                return 0
            lax.fori_loop(0, BC // 16, grp_fn, 0)
            return 0
        lax.fori_loop(0, RPW, row_fn, 0)

        pltpu.sync_copy(outc, out_hbm.at[pl.ds(base * BC, RPW * BC)])

    return k(weight, dist_flat)


@jax.jit
def kernel(x, dist):
    B, C, H, W = x.shape
    HW = H * W
    BC = B * C
    weight = x.reshape(BC, HW)
    top = _dtm_tc(weight, dist[:, :_S_TC])
    bot = _dtm_sc(weight, dist[_S_TC:].reshape(-1), HW - _S_TC)
    out = jnp.concatenate(
        [top.reshape(BC, _S_TC), bot.reshape(HW - _S_TC, BC).T], axis=1)
    return out.reshape(B, C, H, W)

# --- scband reference (transcript-rebuilt; emitter-appended) ---
"""Pipeline reference for scband-weighted-dtmlayer-76613626626474 (READ-ONLY COPY).

The authoritative reference and input builder live on the scoring server;
editing this copy changes nothing except your own understanding.
"""

import jax, jax.numpy as jnp
import numpy as np

M0 = 0.05
LIMS = ((-0.5, 0.5), (-0.5, 0.5))
SIZE = (32, 32)
R = 2


def _make_grid():
    x_seq = np.linspace(LIMS[0][0], LIMS[0][1], SIZE[0])
    y_seq = np.linspace(LIMS[1][1], LIMS[1][0], SIZE[1])
    x_coord, y_coord = np.meshgrid(x_seq, y_seq, indexing='xy')
    grid = np.concatenate([x_coord.reshape(-1, 1), y_coord.reshape(-1, 1)], axis=1)
    return grid


def _grid2grid_dist(grid):
    diff = grid[:, None, :] - grid[None, :, :]
    return np.sqrt((diff ** 2).sum(-1))


def setup_inputs(seed: int = 0) -> dict:
    key = jax.random.key(seed)
    x = jax.random.uniform(key, (16, 3, 32, 32), dtype=jnp.float32)
    dist = jnp.asarray(_grid2grid_dist(_make_grid()), dtype=jnp.float32)
    return {"x": x, "dist": dist}


def reference(x, dist):
    B, C, H, W = x.shape
    HW = H * W
    weight = x.reshape(B, C, HW)
    bound = M0 * jnp.sum(weight, axis=-1, keepdims=True)  # [B,C,1]
    max_k = HW
    # k nearest grid points per grid point (smallest distances, ascending)
    neg_d, knn_index = jax.lax.top_k(-dist, max_k)
    knn_dist = -neg_d  # [HW, max_k]
    # weighted_dtm_using_knn, r == 2
    knn_weight = weight[:, :, knn_index]  # [B,C,HW,max_k]
    cum_knn_weight = jnp.cumsum(knn_weight, axis=-1)
    bound4 = bound[..., None]  # [B,C,1,1]
    k = jnp.sum(cum_knn_weight < bound4, axis=-1, keepdims=True)  # searchsorted
    k = jnp.where(k == HW, k - 1, k)
    k = jnp.clip(k, 0, max_k - 1)
    r_dist = jnp.square(knn_dist)[None, None, :, :]  # [1,1,HW,max_k]
    cum_dist = jnp.cumsum(r_dist * knn_weight, axis=-1)
    vals = cum_dist + r_dist * (bound4 - cum_knn_weight)
    dtm_val = jnp.take_along_axis(vals, k, axis=-1)
    dtm_val = jnp.sqrt(dtm_val / bound4)
    return dtm_val.squeeze(-1).reshape(B, C, H, W)

if __name__ == "__main__":
    import jax
    _d = setup_inputs()
    print(jax.jit(kernel)(*tuple(_d.values())))

</pallas_src>

<mosaic_0001>
#map = affine_map<(d0, d1) -> (0, 0)>
#map1 = affine_map<(d0, d1) -> (0)>
module attributes {stable_mosaic.version = 14 : i64} {
  func.func @k(%arg0: i32, %arg1: i32, %arg2: memref<48x1024xf32, #tpu.memory_space<hbm>>, %arg3: memref<98304xf32, #tpu.memory_space<hbm>>, %arg4: memref<4608xf32, #tpu.memory_space<hbm>>, %arg5: memref<3072xf32, #tpu.memory_space<vmem>>, %arg6: memref<48x1024xf32, #tpu.memory_space<vmem>>, %arg7: memref<144xf32, #tpu.memory_space<vmem>>, %arg8: memref<64xf32, #tpu.memory_space<smem>>, %arg9: memref<3xf32, #tpu.memory_space<smem>>) attributes {dimension_semantics = [#tpu.dimension_semantics<core_parallel>, #tpu.dimension_semantics<subcore_parallel>], iteration_bounds = array<i64: 2, 16>, scalar_prefetch = 0 : i64, scratch_operands = 5 : i64, tpu.core_type = #tpu.core_type<sc_vector_subcore>, window_params = [{transform_indices = #map}, {transform_indices = #map1}, {transform_indices = #map1}]} {
    %mul3A = arith.constant 2 : i32
    %mul3A_0 = arith.muli %arg1, %mul3A : i32
    %add3A = arith.addi %mul3A_0, %arg0 : i32
    %mul3A_1 = arith.constant 3 : i32
    %mul3A_2 = arith.muli %add3A, %mul3A_1 : i32
    %mul3A_3 = arith.constant 1024 : i32
    %mul3A_4 = arith.muli %mul3A_2, %mul3A_3 : i32
    "tpu.region"() ({
      %run_scoped3A = tpu.sem_alloc : memref<!tpu.dma_semaphore, #tpu.memory_space<semaphore_mem>>
      %dma_start3A = tpu.memref_slice %arg3[%mul3A_4] : memref<98304xf32, #tpu.memory_space<hbm>> -> memref<3072xf32, #tpu.memory_space<hbm>>
      %dma_start3A_28 = tpu.memref_slice %arg3[%mul3A_4] : memref<98304xf32, #tpu.memory_space<hbm>> -> memref<3072xf32, #tpu.memory_space<hbm>>
      tpu.enqueue_dma source(%dma_start3A_28 : memref<3072xf32, #tpu.memory_space<hbm>>) target(%arg5 : memref<3072xf32, #tpu.memory_space<vmem>>) target_semaphore(%run_scoped3A : memref<!tpu.dma_semaphore, #tpu.memory_space<semaphore_mem>>)
      %dma_wait3A = tpu.memref_slice %arg3[%mul3A_4] : memref<98304xf32, #tpu.memory_space<hbm>> -> memref<3072xf32, #tpu.memory_space<hbm>>
      %dma_wait3A_29 = tpu.memref_slice %arg3[%mul3A_4] : memref<98304xf32, #tpu.memory_space<hbm>> -> memref<3072xf32, #tpu.memory_space<hbm>>
      tpu.wait_dma2 semaphore(%run_scoped3A : memref<!tpu.dma_semaphore, #tpu.memory_space<semaphore_mem>>) src(%dma_wait3A_29 : memref<3072xf32, #tpu.memory_space<hbm>>) dst(%arg5 : memref<3072xf32, #tpu.memory_space<vmem>>)
      tpu.yield
    }) : () -> ()
    "tpu.region"() ({
      %run_scoped3A = tpu.sem_alloc : memref<!tpu.dma_semaphore, #tpu.memory_space<semaphore_mem>>
      tpu.enqueue_dma source(%arg2 : memref<48x1024xf32, #tpu.memory_space<hbm>>) target(%arg6 : memref<48x1024xf32, #tpu.memory_space<vmem>>) target_semaphore(%run_scoped3A : memref<!tpu.dma_semaphore, #tpu.memory_space<semaphore_mem>>)
      tpu.wait_dma2 semaphore(%run_scoped3A : memref<!tpu.dma_semaphore, #tpu.memory_space<semaphore_mem>>) src(%arg2 : memref<48x1024xf32, #tpu.memory_space<hbm>>) dst(%arg6 : memref<48x1024xf32, #tpu.memory_space<vmem>>)
      tpu.yield
    }) : () -> ()
    %broadcast_in_dim3A = arith.constant 0.000000e+00 : f32
    %broadcast_in_dim3A_5 = vector.broadcast %broadcast_in_dim3A : f32 to vector<16xf32>
    %scan3A = arith.constant 0 : i32
    %scan3A_6 = arith.constant 0 : i32
    %scan3A_7 = arith.constant 48 : i32
    %scan3A_8 = arith.addi %scan3A_6, %scan3A_7 : i32
    %scan3A_9 = arith.constant 1 : i32
    %scan3A_10 = scf.for %scan3A_28 = %scan3A_6 to %scan3A_8 step %scan3A_9 iter_args(%scan3A_29 = %scan3A) -> (i32)  : i32 {
      %scan3A_30 = arith.constant 0 : i32
      %scan3A_31 = arith.constant 64 : i32
      %scan3A_32 = arith.addi %scan3A_30, %scan3A_31 : i32
      %scan3A_33 = arith.constant 1 : i32
      %scan3A_34 = scf.for %scan3A_66 = %scan3A_30 to %scan3A_32 step %scan3A_33 iter_args(%scan3A_67 = %broadcast_in_dim3A_5) -> (vector<16xf32>)  : i32 {
        %mul3A_68 = arith.constant 16 : i32
        %mul3A_69 = arith.muli %scan3A_66, %mul3A_68 : i32
        %get3A = arith.index_cast %scan3A_28 : i32 to index
        %get3A_70 = arith.index_cast %mul3A_69 : i32 to index
        %get3A_71 = tpu.vector_load %arg6[%get3A, %get3A_70] {strides = array<i32>} : memref<48x1024xf32, #tpu.memory_space<vmem>>, vector<1x16xf32>,
        %get3A_72 = vector.shape_cast %get3A_71 : vector<1x16xf32> to vector<16xf32>
        %add3A_73 = arith.addf %scan3A_67, %get3A_72 : vector<16xf32>
        scf.yield %add3A_73 : vector<16xf32>
      }
      %scan3A_35 = arith.constant 64 : i32
      %iota3A = tpu.iota {dimensions = array<i32: 0>} : vector<16xi32>
      %xor3A = arith.constant 8 : i32
      %xor3A_36 = vector.broadcast %xor3A : i32 to vector<16xi32>
      %xor3A_37 = arith.xori %iota3A, %xor3A_36 : vector<16xi32>
      %broadcast_in_dim3A_38 = vector.shape_cast %xor3A_37 : vector<16xi32> to vector<16x1xi32>
      %gather3A = vector.shape_cast %broadcast_in_dim3A_38 : vector<16x1xi32> to vector<16xi32>
      %gather3A_39 = tpu.dynamic_gather %scan3A_34[%gather3A] in [0] : vector<16xf32>, vector<16xi32> -> vector<16xf32>
      %add3A_40 = arith.addf %scan3A_34, %gather3A_39 : vector<16xf32>
      %xor3A_41 = arith.constant 4 : i32
      %xor3A_42 = vector.broadcast %xor3A_41 : i32 to vector<16xi32>
      %xor3A_43 = arith.xori %iota3A, %xor3A_42 : vector<16xi32>
      %broadcast_in_dim3A_44 = vector.shape_cast %xor3A_43 : vector<16xi32> to vector<16x1xi32>
      %gather3A_45 = vector.shape_cast %broadcast_in_dim3A_44 : vector<16x1xi32> to vector<16xi32>
      %gather3A_46 = tpu.dynamic_gather %add3A_40[%gather3A_45] in [0] : vector<16xf32>, vector<16xi32> -> vector<16xf32>
      %add3A_47 = arith.addf %add3A_40, %gather3A_46 : vector<16xf32>
      %xor3A_48 = arith.constant 2 : i32
      %xor3A_49 = vector.broadcast %xor3A_48 : i32 to vector<16xi32>
      %xor3A_50 = arith.xori %iota3A, %xor3A_49 : vector<16xi32>
      %broadcast_in_dim3A_51 = vector.shape_cast %xor3A_50 : vector<16xi32> to vector<16x1xi32>
      %gather3A_52 = vector.shape_cast %broadcast_in_dim3A_51 : vector<16x1xi32> to vector<16xi32>
      %gather3A_53 = tpu.dynamic_gather %add3A_47[%gather3A_52] in [0] : vector<16xf32>, vector<16xi32> -> vector<16xf32>
      %add3A_54 = arith.addf %add3A_47, %gather3A_53 : vector<16xf32>
      %xor3A_55 = arith.constant 1 : i32
      %xor3A_56 = vector.broadcast %xor3A_55 : i32 to vector<16xi32>
      %xor3A_57 = arith.xori %iota3A, %xor3A_56 : vector<16xi32>
      %broadcast_in_dim3A_58 = vector.shape_cast %xor3A_57 : vector<16xi32> to vector<16x1xi32>
      %gather3A_59 = vector.shape_cast %broadcast_in_dim3A_58 : vector<16x1xi32> to vector<16xi32>
      %gather3A_60 = tpu.dynamic_gather %add3A_54[%gather3A_59] in [0] : vector<16xf32>, vector<16xi32> -> vector<16xf32>
      %add3A_61 = arith.addf %add3A_54, %gather3A_60 : vector<16xf32>
      %slice3A = vector.extract_strided_slice %add3A_61 {offsets = [0], sizes = [1], strides = [1]} : vector<16xf32> to vector<1xf32>
      %squeeze3A = vector.extract %slice3A[0] : f32 from vector<1xf32>
      %mul3A_62 = arith.constant 5.000000e-02 : f32
      %mul3A_63 = arith.mulf %mul3A_62, %squeeze3A : f32
      %swap3A = arith.index_cast %scan3A_28 : i32 to index
      %swap3A_64 = memref.load %arg8[%swap3A] : memref<64xf32, #tpu.memory_space<smem>>
      memref.store %mul3A_63, %arg8[%swap3A] : memref<64xf32, #tpu.memory_space<smem>>
      %scan3A_65 = arith.constant 0 : i32
      scf.yield %scan3A_65 : i32
    }
    %scan3A_11 = arith.constant 48 : i32
    %scan3A_12 = arith.constant 0 : i32
    %scan3A_13 = arith.constant 0 : i32
    %scan3A_14 = arith.constant 3 : i32
    %scan3A_15 = arith.addi %scan3A_13, %scan3A_14 : i32
    %scan3A_16 = arith.constant 1 : i32
    %scan3A_17 = scf.for %scan3A_28 = %scan3A_13 to %scan3A_15 step %scan3A_16 iter_args(%scan3A_29 = %scan3A_12) -> (i32)  : i32 {
      %broadcast_in_dim3A_30 = arith.constant -1.000000e+00 : f32
      %broadcast_in_dim3A_31 = vector.broadcast %broadcast_in_dim3A_30 : f32 to vector<16xf32>
      %scan3A_32 = arith.constant 0 : i32
      %scan3A_33 = arith.constant 64 : i32
      %scan3A_34 = arith.addi %scan3A_32, %scan3A_33 : i32
      %scan3A_35 = arith.constant 1 : i32
      %scan3A_36 = scf.for %scan3A_65 = %scan3A_32 to %scan3A_34 step %scan3A_35 iter_args(%scan3A_66 = %broadcast_in_dim3A_31) -> (vector<16xf32>)  : i32 {
        %mul3A_67 = arith.constant 1024 : i32
        %mul3A_68 = arith.muli %scan3A_28, %mul3A_67 : i32
        %mul3A_69 = arith.constant 16 : i32
        %mul3A_70 = arith.muli %scan3A_65, %mul3A_69 : i32
        %add3A_71 = arith.addi %mul3A_68, %mul3A_70 : i32
        %get3A = arith.index_cast %add3A_71 : i32 to index
        %get3A_72 = tpu.vector_load %arg5[%get3A] {strides = array<i32>} : memref<3072xf32, #tpu.memory_space<vmem>>, vector<16xf32>,
        %get3A_73 = vector.shape_cast %get3A_72 : vector<16xf32> to vector<16xf32>
        %mul3A_74 = arith.mulf %get3A_73, %get3A_73 : vector<16xf32>
        %mul3A_75 = arith.constant 1024 : i32
        %mul3A_76 = arith.muli %scan3A_28, %mul3A_75 : i32
        %mul3A_77 = arith.constant 16 : i32
        %mul3A_78 = arith.muli %scan3A_65, %mul3A_77 : i32
        %add3A_79 = arith.addi %mul3A_76, %mul3A_78 : i32
        %swap3A_80 = arith.index_cast %add3A_79 : i32 to index
        %swap3A_81 = tpu.vector_load %arg5[%swap3A_80] {strides = array<i32>} : memref<3072xf32, #tpu.memory_space<vmem>>, vector<16xf32>,
        %swap3A_82 = vector.shape_cast %swap3A_81 : vector<16xf32> to vector<16xf32>
        %swap3A_83 = vector.shape_cast %mul3A_74 : vector<16xf32> to vector<16xf32>
        tpu.vector_store %arg5[%swap3A_80], %swap3A_83 {strides = array<i32>} : memref<3072xf32, #tpu.memory_space<vmem>>, vector<16xf32>,
        %max3A_84 = arith.maximumf %scan3A_66, %mul3A_74 : vector<16xf32>
        scf.yield %max3A_84 : vector<16xf32>
      }
      %scan3A_37 = arith.constant 64 : i32
      %iota3A = tpu.iota {dimensions = array<i32: 0>} : vector<16xi32>
      %xor3A = arith.constant 8 : i32
      %xor3A_38 = vector.broadcast %xor3A : i32 to vector<16xi32>
      %xor3A_39 = arith.xori %iota3A, %xor3A_38 : vector<16xi32>
      %broadcast_in_dim3A_40 = vector.shape_cast %xor3A_39 : vector<16xi32> to vector<16x1xi32>
      %gather3A = vector.shape_cast %broadcast_in_dim3A_40 : vector<16x1xi32> to vector<16xi32>
      %gather3A_41 = tpu.dynamic_gather %scan3A_36[%gather3A] in [0] : vector<16xf32>, vector<16xi32> -> vector<16xf32>
      %max3A = arith.maximumf %scan3A_36, %gather3A_41 : vector<16xf32>
      %xor3A_42 = arith.constant 4 : i32
      %xor3A_43 = vector.broadcast %xor3A_42 : i32 to vector<16xi32>
      %xor3A_44 = arith.xori %iota3A, %xor3A_43 : vector<16xi32>
      %broadcast_in_dim3A_45 = vector.shape_cast %xor3A_44 : vector<16xi32> to vector<16x1xi32>
      %gather3A_46 = vector.shape_cast %broadcast_in_dim3A_45 : vector<16x1xi32> to vector<16xi32>
      %gather3A_47 = tpu.dynamic_gather %max3A[%gather3A_46] in [0] : vector<16xf32>, vector<16xi32> -> vector<16xf32>
      %max3A_48 = arith.maximumf %max3A, %gather3A_47 : vector<16xf32>
      %xor3A_49 = arith.constant 2 : i32
      %xor3A_50 = vector.broadcast %xor3A_49 : i32 to vector<16xi32>
      %xor3A_51 = arith.xori %iota3A, %xor3A_50 : vector<16xi32>
      %broadcast_in_dim3A_52 = vector.shape_cast %xor3A_51 : vector<16xi32> to vector<16x1xi32>
      %gather3A_53 = vector.shape_cast %broadcast_in_dim3A_52 : vector<16x1xi32> to vector<16xi32>
      %gather3A_54 = tpu.dynamic_gather %max3A_48[%gather3A_53] in [0] : vector<16xf32>, vector<16xi32> -> vector<16xf32>
      %max3A_55 = arith.maximumf %max3A_48, %gather3A_54 : vector<16xf32>
      %xor3A_56 = arith.constant 1 : i32
      %xor3A_57 = vector.broadcast %xor3A_56 : i32 to vector<16xi32>
      %xor3A_58 = arith.xori %iota3A, %xor3A_57 : vector<16xi32>
      %broadcast_in_dim3A_59 = vector.shape_cast %xor3A_58 : vector<16xi32> to vector<16x1xi32>
      %gather3A_60 = vector.shape_cast %broadcast_in_dim3A_59 : vector<16x1xi32> to vector<16xi32>
      %gather3A_61 = tpu.dynamic_gather %max3A_55[%gather3A_60] in [0] : vector<16xf32>, vector<16xi32> -> vector<16xf32>
      %max3A_62 = arith.maximumf %max3A_55, %gather3A_61 : vector<16xf32>
      %slice3A = vector.extract_strided_slice %max3A_62 {offsets = [0], sizes = [1], strides = [1]} : vector<16xf32> to vector<1xf32>
      %squeeze3A = vector.extract %slice3A[0] : f32 from vector<1xf32>
      %swap3A = arith.index_cast %scan3A_28 : i32 to index
      %swap3A_63 = memref.load %arg9[%swap3A] : memref<3xf32, #tpu.memory_space<smem>>
      memref.store %squeeze3A, %arg9[%swap3A] : memref<3xf32, #tpu.memory_space<smem>>
      %scan3A_64 = arith.constant 0 : i32
      scf.yield %scan3A_64 : i32
    }
    %scan3A_18 = arith.constant 3 : i32
    %scan3A_19 = arith.constant 0 : i32
    %scan3A_20 = arith.constant 0 : i32
    %scan3A_21 = arith.constant 3 : i32
    %scan3A_22 = arith.addi %scan3A_20, %scan3A_21 : i32
    %scan3A_23 = arith.constant 1 : i32
    %scan3A_24 = scf.for %scan3A_28 = %scan3A_20 to %scan3A_22 step %scan3A_23 iter_args(%scan3A_29 = %scan3A_19) -> (i32)  : i32 {
      %get3A = arith.index_cast %scan3A_28 : i32 to index
      %get3A_30 = memref.load %arg9[%get3A] : memref<3xf32, #tpu.memory_space<smem>>
      %iota3A = tpu.iota {dimensions = array<i32: 0>} : vector<16xi32>
      %scan3A_31 = arith.constant 0 : i32
      %scan3A_32 = arith.constant 0 : i32
      %scan3A_33 = arith.constant 3 : i32
      %scan3A_34 = arith.addi %scan3A_32, %scan3A_33 : i32
      %scan3A_35 = arith.constant 1 : i32
      %scan3A_36 = scf.for %scan3A_39 = %scan3A_32 to %scan3A_34 step %scan3A_35 iter_args(%scan3A_40 = %scan3A_31) -> (i32)  : i32 {
        %scan3A_41 = arith.constant 0 : i32
        %scan3A_42 = arith.constant 16 : i32
        %scan3A_43 = arith.addi %scan3A_41, %scan3A_42 : i32
        %scan3A_44 = arith.constant 1 : i32
        %scan3A_45:2 = scf.for %scan3A_102 = %scan3A_41 to %scan3A_43 step %scan3A_44 iter_args(%scan3A_103 = %broadcast_in_dim3A_5, %scan3A_104 = %broadcast_in_dim3A_5) -> (vector<16xf32>, vector<16xf32>)  : i32 {
          %mul3A_105 = arith.constant 16 : i32
          %mul3A_106 = arith.muli %scan3A_39, %mul3A_105 : i32
          %add3A_107 = arith.addi %mul3A_106, %scan3A_102 : i32
          %get3A_108 = arith.index_cast %add3A_107 : i32 to index
          %get3A_109 = memref.load %arg8[%get3A_108] : memref<64xf32, #tpu.memory_space<smem>>
          %scan3A_110 = arith.constant -7.812500e-03 : f32
          %scan3A_111 = arith.constant 0 : i32
          %scan3A_112 = arith.constant 11 : i32
          %scan3A_113 = arith.addi %scan3A_111, %scan3A_112 : i32
          %scan3A_114 = arith.constant 1 : i32
          %scan3A_115:2 = scf.for %scan3A_193 = %scan3A_111 to %scan3A_113 step %scan3A_114 iter_args(%scan3A_194 = %scan3A_110, %scan3A_195 = %get3A_30) -> (f32, f32)  : i32 {
            %add3A_196 = arith.addf %scan3A_194, %scan3A_195 : f32
            %mul3A_197 = arith.constant 5.000000e-01 : f32
            %mul3A_198 = arith.mulf %mul3A_197, %add3A_196 : f32
            %scan3A_199 = arith.constant 0 : i32
            %scan3A_200 = arith.constant 8 : i32
            %scan3A_201 = arith.addi %scan3A_199, %scan3A_200 : i32
            %scan3A_202 = arith.constant 1 : i32
            %scan3A_203 = scf.for %scan3A_238 = %scan3A_199 to %scan3A_201 step %scan3A_202 iter_args(%scan3A_239 = %broadcast_in_dim3A_5) -> (vector<16xf32>)  : i32 {
              %mul3A_240 = arith.constant 8 : i32
              %mul3A_241 = arith.muli %scan3A_238, %mul3A_240 : i32
              %add3A_242 = arith.constant 0 : i32
              %add3A_243 = arith.addi %mul3A_241, %add3A_242 : i32
              %mul3A_244 = arith.constant 16 : i32
              %mul3A_245 = arith.muli %add3A_243, %mul3A_244 : i32
              %mul3A_246 = arith.constant 1024 : i32
              %mul3A_247 = arith.muli %scan3A_28, %mul3A_246 : i32
              %add3A_248 = arith.addi %mul3A_247, %mul3A_245 : i32
              %get3A_249 = arith.index_cast %add3A_248 : i32 to index
              %get3A_250 = tpu.vector_load %arg5[%get3A_249] {strides = array<i32>} : memref<3072xf32, #tpu.memory_space<vmem>>, vector<16xf32>,
              %get3A_251 = vector.shape_cast %get3A_250 : vector<16xf32> to vector<16xf32>
              %get3A_252 = arith.index_cast %add3A_107 : i32 to index
              %get3A_253 = arith.index_cast %mul3A_245 : i32 to index
              %get3A_254 = tpu.vector_load %arg6[%get3A_252, %get3A_253] {strides = array<i32>} : memref<48x1024xf32, #tpu.memory_space<vmem>>, vector<1x16xf32>,
              %get3A_255 = vector.shape_cast %get3A_254 : vector<1x16xf32> to vector<16xf32>
              %le3A = vector.broadcast %mul3A_198 : f32 to vector<16xf32>
              %le3A_256 = arith.cmpf ole, %get3A_251, %le3A : vector<16xf32>
              %jit3A = arith.constant 0.000000e+00 : f32
              %broadcast_in_dim3A_257 = vector.broadcast %jit3A : f32 to vector<16xf32>
              %select_n3A_258 = arith.select %le3A_256, %get3A_255, %broadcast_in_dim3A_257 : vector<16xi1>, vector<16xf32>
              %add3A_259 = arith.addf %scan3A_239, %select_n3A_258 : vector<16xf32>
              %mul3A_260 = arith.constant 8 : i32
              %mul3A_261 = arith.muli %scan3A_238, %mul3A_260 : i32
              %add3A_262 = arith.constant 1 : i32
              %add3A_263 = arith.addi %mul3A_261, %add3A_262 : i32
              %mul3A_264 = arith.constant 16 : i32
              %mul3A_265 = arith.muli %add3A_263, %mul3A_264 : i32
              %mul3A_266 = arith.constant 1024 : i32
              %mul3A_267 = arith.muli %scan3A_28, %mul3A_266 : i32
              %add3A_268 = arith.addi %mul3A_267, %mul3A_265 : i32
              %get3A_269 = arith.index_cast %add3A_268 : i32 to index
              %get3A_270 = tpu.vector_load %arg5[%get3A_269] {strides = array<i32>} : memref<3072xf32, #tpu.memory_space<vmem>>, vector<16xf32>,
              %get3A_271 = vector.shape_cast %get3A_270 : vector<16xf32> to vector<16xf32>
              %get3A_272 = arith.index_cast %add3A_107 : i32 to index
              %get3A_273 = arith.index_cast %mul3A_265 : i32 to index
              %get3A_274 = tpu.vector_load %arg6[%get3A_272, %get3A_273] {strides = array<i32>} : memref<48x1024xf32, #tpu.memory_space<vmem>>, vector<1x16xf32>,
              %get3A_275 = vector.shape_cast %get3A_274 : vector<1x16xf32> to vector<16xf32>
              %le3A_276 = vector.broadcast %mul3A_198 : f32 to vector<16xf32>
              %le3A_277 = arith.cmpf ole, %get3A_271, %le3A_276 : vector<16xf32>
              %jit3A_278 = arith.constant 0.000000e+00 : f32
              %broadcast_in_dim3A_279 = vector.broadcast %jit3A_278 : f32 to vector<16xf32>
              %select_n3A_280 = arith.select %le3A_277, %get3A_275, %broadcast_in_dim3A_279 : vector<16xi1>, vector<16xf32>
              %add3A_281 = arith.addf %add3A_259, %select_n3A_280 : vector<16xf32>
              %mul3A_282 = arith.constant 8 : i32
              %mul3A_283 = arith.muli %scan3A_238, %mul3A_282 : i32
              %add3A_284 = arith.constant 2 : i32
              %add3A_285 = arith.addi %mul3A_283, %add3A_284 : i32
              %mul3A_286 = arith.constant 16 : i32
              %mul3A_287 = arith.muli %add3A_285, %mul3A_286 : i32
              %mul3A_288 = arith.constant 1024 : i32
              %mul3A_289 = arith.muli %scan3A_28, %mul3A_288 : i32
              %add3A_290 = arith.addi %mul3A_289, %mul3A_287 : i32
              %get3A_291 = arith.index_cast %add3A_290 : i32 to index
              %get3A_292 = tpu.vector_load %arg5[%get3A_291] {strides = array<i32>} : memref<3072xf32, #tpu.memory_space<vmem>>, vector<16xf32>,
              %get3A_293 = vector.shape_cast %get3A_292 : vector<16xf32> to vector<16xf32>
              %get3A_294 = arith.index_cast %add3A_107 : i32 to index
              %get3A_295 = arith.index_cast %mul3A_287 : i32 to index
              %get3A_296 = tpu.vector_load %arg6[%get3A_294, %get3A_295] {strides = array<i32>} : memref<48x1024xf32, #tpu.memory_space<vmem>>, vector<1x16xf32>,
              %get3A_297 = vector.shape_cast %get3A_296 : vector<1x16xf32> to vector<16xf32>
              %le3A_298 = vector.broadcast %mul3A_198 : f32 to vector<16xf32>
              %le3A_299 = arith.cmpf ole, %get3A_293, %le3A_298 : vector<16xf32>
              %jit3A_300 = arith.constant 0.000000e+00 : f32
              %broadcast_in_dim3A_301 = vector.broadcast %jit3A_300 : f32 to vector<16xf32>
              %select_n3A_302 = arith.select %le3A_299, %get3A_297, %broadcast_in_dim3A_301 : vector<16xi1>, vector<16xf32>
              %add3A_303 = arith.addf %add3A_281, %select_n3A_302 : vector<16xf32>
              %mul3A_304 = arith.constant 8 : i32
              %mul3A_305 = arith.muli %scan3A_238, %mul3A_304 : i32
              %add3A_306 = arith.constant 3 : i32
              %add3A_307 = arith.addi %mul3A_305, %add3A_306 : i32
              %mul3A_308 = arith.constant 16 : i32
              %mul3A_309 = arith.muli %add3A_307, %mul3A_308 : i32
              %mul3A_310 = arith.constant 1024 : i32
              %mul3A_311 = arith.muli %scan3A_28, %mul3A_310 : i32
              %add3A_312 = arith.addi %mul3A_311, %mul3A_309 : i32
              %get3A_313 = arith.index_cast %add3A_312 : i32 to index
              %get3A_314 = tpu.vector_load %arg5[%get3A_313] {strides = array<i32>} : memref<3072xf32, #tpu.memory_space<vmem>>, vector<16xf32>,
              %get3A_315 = vector.shape_cast %get3A_314 : vector<16xf32> to vector<16xf32>
              %get3A_316 = arith.index_cast %add3A_107 : i32 to index
              %get3A_317 = arith.index_cast %mul3A_309 : i32 to index
              %get3A_318 = tpu.vector_load %arg6[%get3A_316, %get3A_317] {strides = array<i32>} : memref<48x1024xf32, #tpu.memory_space<vmem>>, vector<1x16xf32>,
              %get3A_319 = vector.shape_cast %get3A_318 : vector<1x16xf32> to vector<16xf32>
              %le3A_320 = vector.broadcast %mul3A_198 : f32 to vector<16xf32>
              %le3A_321 = arith.cmpf ole, %get3A_315, %le3A_320 : vector<16xf32>
              %jit3A_322 = arith.constant 0.000000e+00 : f32
              %broadcast_in_dim3A_323 = vector.broadcast %jit3A_322 : f32 to vector<16xf32>
              %select_n3A_324 = arith.select %le3A_321, %get3A_319, %broadcast_in_dim3A_323 : vector<16xi1>, vector<16xf32>
              %add3A_325 = arith.addf %add3A_303, %select_n3A_324 : vector<16xf32>
              %mul3A_326 = arith.constant 8 : i32
              %mul3A_327 = arith.muli %scan3A_238, %mul3A_326 : i32
              %add3A_328 = arith.constant 4 : i32
              %add3A_329 = arith.addi %mul3A_327, %add3A_328 : i32
              %mul3A_330 = arith.constant 16 : i32
              %mul3A_331 = arith.muli %add3A_329, %mul3A_330 : i32
              %mul3A_332 = arith.constant 1024 : i32
              %mul3A_333 = arith.muli %scan3A_28, %mul3A_332 : i32
              %add3A_334 = arith.addi %mul3A_333, %mul3A_331 : i32
              %get3A_335 = arith.index_cast %add3A_334 : i32 to index
              %get3A_336 = tpu.vector_load %arg5[%get3A_335] {strides = array<i32>} : memref<3072xf32, #tpu.memory_space<vmem>>, vector<16xf32>,
              %get3A_337 = vector.shape_cast %get3A_336 : vector<16xf32> to vector<16xf32>
              %get3A_338 = arith.index_cast %add3A_107 : i32 to index
              %get3A_339 = arith.index_cast %mul3A_331 : i32 to index
              %get3A_340 = tpu.vector_load %arg6[%get3A_338, %get3A_339] {strides = array<i32>} : memref<48x1024xf32, #tpu.memory_space<vmem>>, vector<1x16xf32>,
              %get3A_341 = vector.shape_cast %get3A_340 : vector<1x16xf32> to vector<16xf32>
              %le3A_342 = vector.broadcast %mul3A_198 : f32 to vector<16xf32>
              %le3A_343 = arith.cmpf ole, %get3A_337, %le3A_342 : vector<16xf32>
              %jit3A_344 = arith.constant 0.000000e+00 : f32
              %broadcast_in_dim3A_345 = vector.broadcast %jit3A_344 : f32 to vector<16xf32>
              %select_n3A_346 = arith.select %le3A_343, %get3A_341, %broadcast_in_dim3A_345 : vector<16xi1>, vector<16xf32>
              %add3A_347 = arith.addf %add3A_325, %select_n3A_346 : vector<16xf32>
              %mul3A_348 = arith.constant 8 : i32
              %mul3A_349 = arith.muli %scan3A_238, %mul3A_348 : i32
              %add3A_350 = arith.constant 5 : i32
              %add3A_351 = arith.addi %mul3A_349, %add3A_350 : i32
              %mul3A_352 = arith.constant 16 : i32
              %mul3A_353 = arith.muli %add3A_351, %mul3A_352 : i32
              %mul3A_354 = arith.constant 1024 : i32
              %mul3A_355 = arith.muli %scan3A_28, %mul3A_354 : i32
              %add3A_356 = arith.addi %mul3A_355, %mul3A_353 : i32
              %get3A_357 = arith.index_cast %add3A_356 : i32 to index
              %get3A_358 = tpu.vector_load %arg5[%get3A_357] {strides = array<i32>} : memref<3072xf32, #tpu.memory_space<vmem>>, vector<16xf32>,
              %get3A_359 = vector.shape_cast %get3A_358 : vector<16xf32> to vector<16xf32>
              %get3A_360 = arith.index_cast %add3A_107 : i32 to index
              %get3A_361 = arith.index_cast %mul3A_353 : i32 to index
              %get3A_362 = tpu.vector_load %arg6[%get3A_360, %get3A_361] {strides = array<i32>} : memref<48x1024xf32, #tpu.memory_space<vmem>>, vector<1x16xf32>,
              %get3A_363 = vector.shape_cast %get3A_362 : vector<1x16xf32> to vector<16xf32>
              %le3A_364 = vector.broadcast %mul3A_198 : f32 to vector<16xf32>
              %le3A_365 = arith.cmpf ole, %get3A_359, %le3A_364 : vector<16xf32>
              %jit3A_366 = arith.constant 0.000000e+00 : f32
              %broadcast_in_dim3A_367 = vector.broadcast %jit3A_366 : f32 to vector<16xf32>
              %select_n3A_368 = arith.select %le3A_365, %get3A_363, %broadcast_in_dim3A_367 : vector<16xi1>, vector<16xf32>
              %add3A_369 = arith.addf %add3A_347, %select_n3A_368 : vector<16xf32>
              %mul3A_370 = arith.constant 8 : i32
              %mul3A_371 = arith.muli %scan3A_238, %mul3A_370 : i32
              %add3A_372 = arith.constant 6 : i32
              %add3A_373 = arith.addi %mul3A_371, %add3A_372 : i32
              %mul3A_374 = arith.constant 16 : i32
              %mul3A_375 = arith.muli %add3A_373, %mul3A_374 : i32
              %mul3A_376 = arith.constant 1024 : i32
              %mul3A_377 = arith.muli %scan3A_28, %mul3A_376 : i32
              %add3A_378 = arith.addi %mul3A_377, %mul3A_375 : i32
              %get3A_379 = arith.index_cast %add3A_378 : i32 to index
              %get3A_380 = tpu.vector_load %arg5[%get3A_379] {strides = array<i32>} : memref<3072xf32, #tpu.memory_space<vmem>>, vector<16xf32>,
              %get3A_381 = vector.shape_cast %get3A_380 : vector<16xf32> to vector<16xf32>
              %get3A_382 = arith.index_cast %add3A_107 : i32 to index
              %get3A_383 = arith.index_cast %mul3A_375 : i32 to index
              %get3A_384 = tpu.vector_load %arg6[%get3A_382, %get3A_383] {strides = array<i32>} : memref<48x1024xf32, #tpu.memory_space<vmem>>, vector<1x16xf32>,
              %get3A_385 = vector.shape_cast %get3A_384 : vector<1x16xf32> to vector<16xf32>
              %le3A_386 = vector.broadcast %mul3A_198 : f32 to vector<16xf32>
              %le3A_387 = arith.cmpf ole, %get3A_381, %le3A_386 : vector<16xf32>
              %jit3A_388 = arith.constant 0.000000e+00 : f32
              %broadcast_in_dim3A_389 = vector.broadcast %jit3A_388 : f32 to vector<16xf32>
              %select_n3A_390 = arith.select %le3A_387, %get3A_385, %broadcast_in_dim3A_389 : vector<16xi1>, vector<16xf32>
              %add3A_391 = arith.addf %add3A_369, %select_n3A_390 : vector<16xf32>
              %mul3A_392 = arith.constant 8 : i32
              %mul3A_393 = arith.muli %scan3A_238, %mul3A_392 : i32
              %add3A_394 = arith.constant 7 : i32
              %add3A_395 = arith.addi %mul3A_393, %add3A_394 : i32
              %mul3A_396 = arith.constant 16 : i32
              %mul3A_397 = arith.muli %add3A_395, %mul3A_396 : i32
              %mul3A_398 = arith.constant 1024 : i32
              %mul3A_399 = arith.muli %scan3A_28, %mul3A_398 : i32
              %add3A_400 = arith.addi %mul3A_399, %mul3A_397 : i32
              %get3A_401 = arith.index_cast %add3A_400 : i32 to index
              %get3A_402 = tpu.vector_load %arg5[%get3A_401] {strides = array<i32>} : memref<3072xf32, #tpu.memory_space<vmem>>, vector<16xf32>,
              %get3A_403 = vector.shape_cast %get3A_402 : vector<16xf32> to vector<16xf32>
              %get3A_404 = arith.index_cast %add3A_107 : i32 to index
              %get3A_405 = arith.index_cast %mul3A_397 : i32 to index
              %get3A_406 = tpu.vector_load %arg6[%get3A_404, %get3A_405] {strides = array<i32>} : memref<48x1024xf32, #tpu.memory_space<vmem>>, vector<1x16xf32>,
              %get3A_407 = vector.shape_cast %get3A_406 : vector<1x16xf32> to vector<16xf32>
              %le3A_408 = vector.broadcast %mul3A_198 : f32 to vector<16xf32>
              %le3A_409 = arith.cmpf ole, %get3A_403, %le3A_408 : vector<16xf32>
              %jit3A_410 = arith.constant 0.000000e+00 : f32
              %broadcast_in_dim3A_411 = vector.broadcast %jit3A_410 : f32 to vector<16xf32>
              %select_n3A_412 = arith.select %le3A_409, %get3A_407, %broadcast_in_dim3A_411 : vector<16xi1>, vector<16xf32>
              %add3A_413 = arith.addf %add3A_391, %select_n3A_412 : vector<16xf32>
              scf.yield %add3A_413 : vector<16xf32>
            }
            %scan3A_204 = arith.constant 8 : i32
            %iota3A_205 = tpu.iota {dimensions = array<i32: 0>} : vector<16xi32>
            %xor3A_206 = arith.constant 8 : i32
            %xor3A_207 = vector.broadcast %xor3A_206 : i32 to vector<16xi32>
            %xor3A_208 = arith.xori %iota3A_205, %xor3A_207 : vector<16xi32>
            %broadcast_in_dim3A_209 = vector.shape_cast %xor3A_208 : vector<16xi32> to vector<16x1xi32>
            %gather3A_210 = vector.shape_cast %broadcast_in_dim3A_209 : vector<16x1xi32> to vector<16xi32>
            %gather3A_211 = tpu.dynamic_gather %scan3A_203[%gather3A_210] in [0] : vector<16xf32>, vector<16xi32> -> vector<16xf32>
            %add3A_212 = arith.addf %scan3A_203, %gather3A_211 : vector<16xf32>
            %xor3A_213 = arith.constant 4 : i32
            %xor3A_214 = vector.broadcast %xor3A_213 : i32 to vector<16xi32>
            %xor3A_215 = arith.xori %iota3A_205, %xor3A_214 : vector<16xi32>
            %broadcast_in_dim3A_216 = vector.shape_cast %xor3A_215 : vector<16xi32> to vector<16x1xi32>
            %gather3A_217 = vector.shape_cast %broadcast_in_dim3A_216 : vector<16x1xi32> to vector<16xi32>
            %gather3A_218 = tpu.dynamic_gather %add3A_212[%gather3A_217] in [0] : vector<16xf32>, vector<16xi32> -> vector<16xf32>
            %add3A_219 = arith.addf %add3A_212, %gather3A_218 : vector<16xf32>
            %xor3A_220 = arith.constant 2 : i32
            %xor3A_221 = vector.broadcast %xor3A_220 : i32 to vector<16xi32>
            %xor3A_222 = arith.xori %iota3A_205, %xor3A_221 : vector<16xi32>
            %broadcast_in_dim3A_223 = vector.shape_cast %xor3A_222 : vector<16xi32> to vector<16x1xi32>
            %gather3A_224 = vector.shape_cast %broadcast_in_dim3A_223 : vector<16x1xi32> to vector<16xi32>
            %gather3A_225 = tpu.dynamic_gather %add3A_219[%gather3A_224] in [0] : vector<16xf32>, vector<16xi32> -> vector<16xf32>
            %add3A_226 = arith.addf %add3A_219, %gather3A_225 : vector<16xf32>
            %xor3A_227 = arith.constant 1 : i32
            %xor3A_228 = vector.broadcast %xor3A_227 : i32 to vector<16xi32>
            %xor3A_229 = arith.xori %iota3A_205, %xor3A_228 : vector<16xi32>
            %broadcast_in_dim3A_230 = vector.shape_cast %xor3A_229 : vector<16xi32> to vector<16x1xi32>
            %gather3A_231 = vector.shape_cast %broadcast_in_dim3A_230 : vector<16x1xi32> to vector<16xi32>
            %gather3A_232 = tpu.dynamic_gather %add3A_226[%gather3A_231] in [0] : vector<16xf32>, vector<16xi32> -> vector<16xf32>
            %add3A_233 = arith.addf %add3A_226, %gather3A_232 : vector<16xf32>
            %slice3A_234 = vector.extract_strided_slice %add3A_233 {offsets = [0], sizes = [1], strides = [1]} : vector<16xf32> to vector<1xf32>
            %squeeze3A_235 = vector.extract %slice3A_234[0] : f32 from vector<1xf32>
            %ge3A = arith.cmpf oge, %squeeze3A_235, %get3A_109 : f32
            %select_n3A_236 = arith.select %ge3A, %scan3A_194, %mul3A_198 : f32
            %select_n3A_237 = arith.select %ge3A, %mul3A_198, %scan3A_195 : f32
            scf.yield %select_n3A_236, %select_n3A_237 : f32, f32
          }
          %scan3A_116 = arith.constant 11 : i32
          %add3A_117 = arith.addf %scan3A_115#0, %scan3A_115#1 : f32
          %mul3A_118 = arith.constant 5.000000e-01 : f32
          %mul3A_119 = arith.mulf %mul3A_118, %add3A_117 : f32
          %scan3A_120 = arith.constant 0 : i32
          %scan3A_121 = arith.constant 8 : i32
          %scan3A_122 = arith.addi %scan3A_120, %scan3A_121 : i32
          %scan3A_123 = arith.constant 1 : i32
          %scan3A_124:2 = scf.for %scan3A_193 = %scan3A_120 to %scan3A_122 step %scan3A_123 iter_args(%scan3A_194 = %broadcast_in_dim3A_5, %scan3A_195 = %broadcast_in_dim3A_5) -> (vector<16xf32>, vector<16xf32>)  : i32 {
            %mul3A_196 = arith.constant 8 : i32
            %mul3A_197 = arith.muli %scan3A_193, %mul3A_196 : i32
            %add3A_198 = arith.constant 0 : i32
            %add3A_199 = arith.addi %mul3A_197, %add3A_198 : i32
            %mul3A_200 = arith.constant 16 : i32
            %mul3A_201 = arith.muli %add3A_199, %mul3A_200 : i32
            %mul3A_202 = arith.constant 1024 : i32
            %mul3A_203 = arith.muli %scan3A_28, %mul3A_202 : i32
            %add3A_204 = arith.addi %mul3A_203, %mul3A_201 : i32
            %get3A_205 = arith.index_cast %add3A_204 : i32 to index
            %get3A_206 = tpu.vector_load %arg5[%get3A_205] {strides = array<i32>} : memref<3072xf32, #tpu.memory_space<vmem>>, vector<16xf32>,
            %get3A_207 = vector.shape_cast %get3A_206 : vector<16xf32> to vector<16xf32>
            %get3A_208 = arith.index_cast %add3A_107 : i32 to index
            %get3A_209 = arith.index_cast %mul3A_201 : i32 to index
            %get3A_210 = tpu.vector_load %arg6[%get3A_208, %get3A_209] {strides = array<i32>} : memref<48x1024xf32, #tpu.memory_space<vmem>>, vector<1x16xf32>,
            %get3A_211 = vector.shape_cast %get3A_210 : vector<1x16xf32> to vector<16xf32>
            %le3A = vector.broadcast %scan3A_115#0 : f32 to vector<16xf32>
            %le3A_212 = arith.cmpf ole, %get3A_207, %le3A : vector<16xf32>
            %jit3A = arith.constant 0.000000e+00 : f32
            %broadcast_in_dim3A_213 = vector.broadcast %jit3A : f32 to vector<16xf32>
            %select_n3A_214 = arith.select %le3A_212, %get3A_211, %broadcast_in_dim3A_213 : vector<16xi1>, vector<16xf32>
            %add3A_215 = arith.addf %scan3A_194, %select_n3A_214 : vector<16xf32>
            %mul3A_216 = arith.mulf %get3A_211, %get3A_207 : vector<16xf32>
            %jit3A_217 = arith.constant 0.000000e+00 : f32
            %broadcast_in_dim3A_218 = vector.broadcast %jit3A_217 : f32 to vector<16xf32>
            %select_n3A_219 = arith.select %le3A_212, %mul3A_216, %broadcast_in_dim3A_218 : vector<16xi1>, vector<16xf32>
            %add3A_220 = arith.addf %scan3A_195, %select_n3A_219 : vector<16xf32>
            %mul3A_221 = arith.constant 8 : i32
            %mul3A_222 = arith.muli %scan3A_193, %mul3A_221 : i32
            %add3A_223 = arith.constant 1 : i32
            %add3A_224 = arith.addi %mul3A_222, %add3A_223 : i32
            %mul3A_225 = arith.constant 16 : i32
            %mul3A_226 = arith.muli %add3A_224, %mul3A_225 : i32
            %mul3A_227 = arith.constant 1024 : i32
            %mul3A_228 = arith.muli %scan3A_28, %mul3A_227 : i32
            %add3A_229 = arith.addi %mul3A_228, %mul3A_226 : i32
            %get3A_230 = arith.index_cast %add3A_229 : i32 to index
            %get3A_231 = tpu.vector_load %arg5[%get3A_230] {strides = array<i32>} : memref<3072xf32, #tpu.memory_space<vmem>>, vector<16xf32>,
            %get3A_232 = vector.shape_cast %get3A_231 : vector<16xf32> to vector<16xf32>
            %get3A_233 = arith.index_cast %add3A_107 : i32 to index
            %get3A_234 = arith.index_cast %mul3A_226 : i32 to index
            %get3A_235 = tpu.vector_load %arg6[%get3A_233, %get3A_234] {strides = array<i32>} : memref<48x1024xf32, #tpu.memory_space<vmem>>, vector<1x16xf32>,
            %get3A_236 = vector.shape_cast %get3A_235 : vector<1x16xf32> to vector<16xf32>
            %le3A_237 = vector.broadcast %scan3A_115#0 : f32 to vector<16xf32>
            %le3A_238 = arith.cmpf ole, %get3A_232, %le3A_237 : vector<16xf32>
            %jit3A_239 = arith.constant 0.000000e+00 : f32
            %broadcast_in_dim3A_240 = vector.broadcast %jit3A_239 : f32 to vector<16xf32>
            %select_n3A_241 = arith.select %le3A_238, %get3A_236, %broadcast_in_dim3A_240 : vector<16xi1>, vector<16xf32>
            %add3A_242 = arith.addf %add3A_215, %select_n3A_241 : vector<16xf32>
            %mul3A_243 = arith.mulf %get3A_236, %get3A_232 : vector<16xf32>
            %jit3A_244 = arith.constant 0.000000e+00 : f32
            %broadcast_in_dim3A_245 = vector.broadcast %jit3A_244 : f32 to vector<16xf32>
            %select_n3A_246 = arith.select %le3A_238, %mul3A_243, %broadcast_in_dim3A_245 : vector<16xi1>, vector<16xf32>
            %add3A_247 = arith.addf %add3A_220, %select_n3A_246 : vector<16xf32>
            %mul3A_248 = arith.constant 8 : i32
            %mul3A_249 = arith.muli %scan3A_193, %mul3A_248 : i32
            %add3A_250 = arith.constant 2 : i32
            %add3A_251 = arith.addi %mul3A_249, %add3A_250 : i32
            %mul3A_252 = arith.constant 16 : i32
            %mul3A_253 = arith.muli %add3A_251, %mul3A_252 : i32
            %mul3A_254 = arith.constant 1024 : i32
            %mul3A_255 = arith.muli %scan3A_28, %mul3A_254 : i32
            %add3A_256 = arith.addi %mul3A_255, %mul3A_253 : i32
            %get3A_257 = arith.index_cast %add3A_256 : i32 to index
            %get3A_258 = tpu.vector_load %arg5[%get3A_257] {strides = array<i32>} : memref<3072xf32, #tpu.memory_space<vmem>>, vector<16xf32>,
            %get3A_259 = vector.shape_cast %get3A_258 : vector<16xf32> to vector<16xf32>
            %get3A_260 = arith.index_cast %add3A_107 : i32 to index
            %get3A_261 = arith.index_cast %mul3A_253 : i32 to index
            %get3A_262 = tpu.vector_load %arg6[%get3A_260, %get3A_261] {strides = array<i32>} : memref<48x1024xf32, #tpu.memory_space<vmem>>, vector<1x16xf32>,
            %get3A_263 = vector.shape_cast %get3A_262 : vector<1x16xf32> to vector<16xf32>
            %le3A_264 = vector.broadcast %scan3A_115#0 : f32 to vector<16xf32>
            %le3A_265 = arith.cmpf ole, %get3A_259, %le3A_264 : vector<16xf32>
            %jit3A_266 = arith.constant 0.000000e+00 : f32
            %broadcast_in_dim3A_267 = vector.broadcast %jit3A_266 : f32 to vector<16xf32>
            %select_n3A_268 = arith.select %le3A_265, %get3A_263, %broadcast_in_dim3A_267 : vector<16xi1>, vector<16xf32>
            %add3A_269 = arith.addf %add3A_242, %select_n3A_268 : vector<16xf32>
            %mul3A_270 = arith.mulf %get3A_263, %get3A_259 : vector<16xf32>
            %jit3A_271 = arith.constant 0.000000e+00 : f32
            %broadcast_in_dim3A_272 = vector.broadcast %jit3A_271 : f32 to vector<16xf32>
            %select_n3A_273 = arith.select %le3A_265, %mul3A_270, %broadcast_in_dim3A_272 : vector<16xi1>, vector<16xf32>
            %add3A_274 = arith.addf %add3A_247, %select_n3A_273 : vector<16xf32>
            %mul3A_275 = arith.constant 8 : i32
            %mul3A_276 = arith.muli %scan3A_193, %mul3A_275 : i32
            %add3A_277 = arith.constant 3 : i32
            %add3A_278 = arith.addi %mul3A_276, %add3A_277 : i32
            %mul3A_279 = arith.constant 16 : i32
            %mul3A_280 = arith.muli %add3A_278, %mul3A_279 : i32
            %mul3A_281 = arith.constant 1024 : i32
            %mul3A_282 = arith.muli %scan3A_28, %mul3A_281 : i32
            %add3A_283 = arith.addi %mul3A_282, %mul3A_280 : i32
            %get3A_284 = arith.index_cast %add3A_283 : i32 to index
            %get3A_285 = tpu.vector_load %arg5[%get3A_284] {strides = array<i32>} : memref<3072xf32, #tpu.memory_space<vmem>>, vector<16xf32>,
            %get3A_286 = vector.shape_cast %get3A_285 : vector<16xf32> to vector<16xf32>
            %get3A_287 = arith.index_cast %add3A_107 : i32 to index
            %get3A_288 = arith.index_cast %mul3A_280 : i32 to index
            %get3A_289 = tpu.vector_load %arg6[%get3A_287, %get3A_288] {strides = array<i32>} : memref<48x1024xf32, #tpu.memory_space<vmem>>, vector<1x16xf32>,
            %get3A_290 = vector.shape_cast %get3A_289 : vector<1x16xf32> to vector<16xf32>
            %le3A_291 = vector.broadcast %scan3A_115#0 : f32 to vector<16xf32>
            %le3A_292 = arith.cmpf ole, %get3A_286, %le3A_291 : vector<16xf32>
            %jit3A_293 = arith.constant 0.000000e+00 : f32
            %broadcast_in_dim3A_294 = vector.broadcast %jit3A_293 : f32 to vector<16xf32>
            %select_n3A_295 = arith.select %le3A_292, %get3A_290, %broadcast_in_dim3A_294 : vector<16xi1>, vector<16xf32>
            %add3A_296 = arith.addf %add3A_269, %select_n3A_295 : vector<16xf32>
            %mul3A_297 = arith.mulf %get3A_290, %get3A_286 : vector<16xf32>
            %jit3A_298 = arith.constant 0.000000e+00 : f32
            %broadcast_in_dim3A_299 = vector.broadcast %jit3A_298 : f32 to vector<16xf32>
            %select_n3A_300 = arith.select %le3A_292, %mul3A_297, %broadcast_in_dim3A_299 : vector<16xi1>, vector<16xf32>
            %add3A_301 = arith.addf %add3A_274, %select_n3A_300 : vector<16xf32>
            %mul3A_302 = arith.constant 8 : i32
            %mul3A_303 = arith.muli %scan3A_193, %mul3A_302 : i32
            %add3A_304 = arith.constant 4 : i32
            %add3A_305 = arith.addi %mul3A_303, %add3A_304 : i32
            %mul3A_306 = arith.constant 16 : i32
            %mul3A_307 = arith.muli %add3A_305, %mul3A_306 : i32
            %mul3A_308 = arith.constant 1024 : i32
            %mul3A_309 = arith.muli %scan3A_28, %mul3A_308 : i32
            %add3A_310 = arith.addi %mul3A_309, %mul3A_307 : i32
            %get3A_311 = arith.index_cast %add3A_310 : i32 to index
            %get3A_312 = tpu.vector_load %arg5[%get3A_311] {strides = array<i32>} : memref<3072xf32, #tpu.memory_space<vmem>>, vector<16xf32>,
            %get3A_313 = vector.shape_cast %get3A_312 : vector<16xf32> to vector<16xf32>
            %get3A_314 = arith.index_cast %add3A_107 : i32 to index
            %get3A_315 = arith.index_cast %mul3A_307 : i32 to index
            %get3A_316 = tpu.vector_load %arg6[%get3A_314, %get3A_315] {strides = array<i32>} : memref<48x1024xf32, #tpu.memory_space<vmem>>, vector<1x16xf32>,
            %get3A_317 = vector.shape_cast %get3A_316 : vector<1x16xf32> to vector<16xf32>
            %le3A_318 = vector.broadcast %scan3A_115#0 : f32 to vector<16xf32>
            %le3A_319 = arith.cmpf ole, %get3A_313, %le3A_318 : vector<16xf32>
            %jit3A_320 = arith.constant 0.000000e+00 : f32
            %broadcast_in_dim3A_321 = vector.broadcast %jit3A_320 : f32 to vector<16xf32>
            %select_n3A_322 = arith.select %le3A_319, %get3A_317, %broadcast_in_dim3A_321 : vector<16xi1>, vector<16xf32>
            %add3A_323 = arith.addf %add3A_296, %select_n3A_322 : vector<16xf32>
            %mul3A_324 = arith.mulf %get3A_317, %get3A_313 : vector<16xf32>
            %jit3A_325 = arith.constant 0.000000e+00 : f32
            %broadcast_in_dim3A_326 = vector.broadcast %jit3A_325 : f32 to vector<16xf32>
            %select_n3A_327 = arith.select %le3A_319, %mul3A_324, %broadcast_in_dim3A_326 : vector<16xi1>, vector<16xf32>
            %add3A_328 = arith.addf %add3A_301, %select_n3A_327 : vector<16xf32>
            %mul3A_329 = arith.constant 8 : i32
            %mul3A_330 = arith.muli %scan3A_193, %mul3A_329 : i32
            %add3A_331 = arith.constant 5 : i32
            %add3A_332 = arith.addi %mul3A_330, %add3A_331 : i32
            %mul3A_333 = arith.constant 16 : i32
            %mul3A_334 = arith.muli %add3A_332, %mul3A_333 : i32
            %mul3A_335 = arith.constant 1024 : i32
            %mul3A_336 = arith.muli %scan3A_28, %mul3A_335 : i32
            %add3A_337 = arith.addi %mul3A_336, %mul3A_334 : i32
            %get3A_338 = arith.index_cast %add3A_337 : i32 to index
            %get3A_339 = tpu.vector_load %arg5[%get3A_338] {strides = array<i32>} : memref<3072xf32, #tpu.memory_space<vmem>>, vector<16xf32>,
            %get3A_340 = vector.shape_cast %get3A_339 : vector<16xf32> to vector<16xf32>
            %get3A_341 = arith.index_cast %add3A_107 : i32 to index
            %get3A_342 = arith.index_cast %mul3A_334 : i32 to index
            %get3A_343 = tpu.vector_load %arg6[%get3A_341, %get3A_342] {strides = array<i32>} : memref<48x1024xf32, #tpu.memory_space<vmem>>, vector<1x16xf32>,
            %get3A_344 = vector.shape_cast %get3A_343 : vector<1x16xf32> to vector<16xf32>
            %le3A_345 = vector.broadcast %scan3A_115#0 : f32 to vector<16xf32>
            %le3A_346 = arith.cmpf ole, %get3A_340, %le3A_345 : vector<16xf32>
            %jit3A_347 = arith.constant 0.000000e+00 : f32
            %broadcast_in_dim3A_348 = vector.broadcast %jit3A_347 : f32 to vector<16xf32>
            %select_n3A_349 = arith.select %le3A_346, %get3A_344, %broadcast_in_dim3A_348 : vector<16xi1>, vector<16xf32>
            %add3A_350 = arith.addf %add3A_323, %select_n3A_349 : vector<16xf32>
            %mul3A_351 = arith.mulf %get3A_344, %get3A_340 : vector<16xf32>
            %jit3A_352 = arith.constant 0.000000e+00 : f32
            %broadcast_in_dim3A_353 = vector.broadcast %jit3A_352 : f32 to vector<16xf32>
            %select_n3A_354 = arith.select %le3A_346, %mul3A_351, %broadcast_in_dim3A_353 : vector<16xi1>, vector<16xf32>
            %add3A_355 = arith.addf %add3A_328, %select_n3A_354 : vector<16xf32>
            %mul3A_356 = arith.constant 8 : i32
            %mul3A_357 = arith.muli %scan3A_193, %mul3A_356 : i32
            %add3A_358 = arith.constant 6 : i32
            %add3A_359 = arith.addi %mul3A_357, %add3A_358 : i32
            %mul3A_360 = arith.constant 16 : i32
            %mul3A_361 = arith.muli %add3A_359, %mul3A_360 : i32
            %mul3A_362 = arith.constant 1024 : i32
            %mul3A_363 = arith.muli %scan3A_28, %mul3A_362 : i32
            %add3A_364 = arith.addi %mul3A_363, %mul3A_361 : i32
            %get3A_365 = arith.index_cast %add3A_364 : i32 to index
            %get3A_366 = tpu.vector_load %arg5[%get3A_365] {strides = array<i32>} : memref<3072xf32, #tpu.memory_space<vmem>>, vector<16xf32>,
            %get3A_367 = vector.shape_cast %get3A_366 : vector<16xf32> to vector<16xf32>
            %get3A_368 = arith.index_cast %add3A_107 : i32 to index
            %get3A_369 = arith.index_cast %mul3A_361 : i32 to index
            %get3A_370 = tpu.vector_load %arg6[%get3A_368, %get3A_369] {strides = array<i32>} : memref<48x1024xf32, #tpu.memory_space<vmem>>, vector<1x16xf32>,
            %get3A_371 = vector.shape_cast %get3A_370 : vector<1x16xf32> to vector<16xf32>
            %le3A_372 = vector.broadcast %scan3A_115#0 : f32 to vector<16xf32>
            %le3A_373 = arith.cmpf ole, %get3A_367, %le3A_372 : vector<16xf32>
            %jit3A_374 = arith.constant 0.000000e+00 : f32
            %broadcast_in_dim3A_375 = vector.broadcast %jit3A_374 : f32 to vector<16xf32>
            %select_n3A_376 = arith.select %le3A_373, %get3A_371, %broadcast_in_dim3A_375 : vector<16xi1>, vector<16xf32>
            %add3A_377 = arith.addf %add3A_350, %select_n3A_376 : vector<16xf32>
            %mul3A_378 = arith.mulf %get3A_371, %get3A_367 : vector<16xf32>
            %jit3A_379 = arith.constant 0.000000e+00 : f32
            %broadcast_in_dim3A_380 = vector.broadcast %jit3A_379 : f32 to vector<16xf32>
            %select_n3A_381 = arith.select %le3A_373, %mul3A_378, %broadcast_in_dim3A_380 : vector<16xi1>, vector<16xf32>
            %add3A_382 = arith.addf %add3A_355, %select_n3A_381 : vector<16xf32>
            %mul3A_383 = arith.constant 8 : i32
            %mul3A_384 = arith.muli %scan3A_193, %mul3A_383 : i32
            %add3A_385 = arith.constant 7 : i32
            %add3A_386 = arith.addi %mul3A_384, %add3A_385 : i32
            %mul3A_387 = arith.constant 16 : i32
            %mul3A_388 = arith.muli %add3A_386, %mul3A_387 : i32
            %mul3A_389 = arith.constant 1024 : i32
            %mul3A_390 = arith.muli %scan3A_28, %mul3A_389 : i32
            %add3A_391 = arith.addi %mul3A_390, %mul3A_388 : i32
            %get3A_392 = arith.index_cast %add3A_391 : i32 to index
            %get3A_393 = tpu.vector_load %arg5[%get3A_392] {strides = array<i32>} : memref<3072xf32, #tpu.memory_space<vmem>>, vector<16xf32>,
            %get3A_394 = vector.shape_cast %get3A_393 : vector<16xf32> to vector<16xf32>
            %get3A_395 = arith.index_cast %add3A_107 : i32 to index
            %get3A_396 = arith.index_cast %mul3A_388 : i32 to index
            %get3A_397 = tpu.vector_load %arg6[%get3A_395, %get3A_396] {strides = array<i32>} : memref<48x1024xf32, #tpu.memory_space<vmem>>, vector<1x16xf32>,
            %get3A_398 = vector.shape_cast %get3A_397 : vector<1x16xf32> to vector<16xf32>
            %le3A_399 = vector.broadcast %scan3A_115#0 : f32 to vector<16xf32>
            %le3A_400 = arith.cmpf ole, %get3A_394, %le3A_399 : vector<16xf32>
            %jit3A_401 = arith.constant 0.000000e+00 : f32
            %broadcast_in_dim3A_402 = vector.broadcast %jit3A_401 : f32 to vector<16xf32>
            %select_n3A_403 = arith.select %le3A_400, %get3A_398, %broadcast_in_dim3A_402 : vector<16xi1>, vector<16xf32>
            %add3A_404 = arith.addf %add3A_377, %select_n3A_403 : vector<16xf32>
            %mul3A_405 = arith.mulf %get3A_398, %get3A_394 : vector<16xf32>
            %jit3A_406 = arith.constant 0.000000e+00 : f32
            %broadcast_in_dim3A_407 = vector.broadcast %jit3A_406 : f32 to vector<16xf32>
            %select_n3A_408 = arith.select %le3A_400, %mul3A_405, %broadcast_in_dim3A_407 : vector<16xi1>, vector<16xf32>
            %add3A_409 = arith.addf %add3A_382, %select_n3A_408 : vector<16xf32>
            scf.yield %add3A_404, %add3A_409 : vector<16xf32>, vector<16xf32>
          }
          %scan3A_125 = arith.constant 8 : i32
          %iota3A_126 = tpu.iota {dimensions = array<i32: 0>} : vector<16xi32>
          %xor3A = arith.constant 8 : i32
          %xor3A_127 = vector.broadcast %xor3A : i32 to vector<16xi32>
          %xor3A_128 = arith.xori %iota3A_126, %xor3A_127 : vector<16xi32>
          %broadcast_in_dim3A_129 = vector.shape_cast %xor3A_128 : vector<16xi32> to vector<16x1xi32>
          %gather3A = vector.shape_cast %broadcast_in_dim3A_129 : vector<16x1xi32> to vector<16xi32>
          %gather3A_130 = tpu.dynamic_gather %scan3A_124#1[%gather3A] in [0] : vector<16xf32>, vector<16xi32> -> vector<16xf32>
          %add3A_131 = arith.addf %scan3A_124#1, %gather3A_130 : vector<16xf32>
          %xor3A_132 = arith.constant 4 : i32
          %xor3A_133 = vector.broadcast %xor3A_132 : i32 to vector<16xi32>
          %xor3A_134 = arith.xori %iota3A_126, %xor3A_133 : vector<16xi32>
          %broadcast_in_dim3A_135 = vector.shape_cast %xor3A_134 : vector<16xi32> to vector<16x1xi32>
          %gather3A_136 = vector.shape_cast %broadcast_in_dim3A_135 : vector<16x1xi32> to vector<16xi32>
          %gather3A_137 = tpu.dynamic_gather %add3A_131[%gather3A_136] in [0] : vector<16xf32>, vector<16xi32> -> vector<16xf32>
          %add3A_138 = arith.addf %add3A_131, %gather3A_137 : vector<16xf32>
          %xor3A_139 = arith.constant 2 : i32
          %xor3A_140 = vector.broadcast %xor3A_139 : i32 to vector<16xi32>
          %xor3A_141 = arith.xori %iota3A_126, %xor3A_140 : vector<16xi32>
          %broadcast_in_dim3A_142 = vector.shape_cast %xor3A_141 : vector<16xi32> to vector<16x1xi32>
          %gather3A_143 = vector.shape_cast %broadcast_in_dim3A_142 : vector<16x1xi32> to vector<16xi32>
          %gather3A_144 = tpu.dynamic_gather %add3A_138[%gather3A_143] in [0] : vector<16xf32>, vector<16xi32> -> vector<16xf32>
          %add3A_145 = arith.addf %add3A_138, %gather3A_144 : vector<16xf32>
          %xor3A_146 = arith.constant 1 : i32
          %xor3A_147 = vector.broadcast %xor3A_146 : i32 to vector<16xi32>
          %xor3A_148 = arith.xori %iota3A_126, %xor3A_147 : vector<16xi32>
          %broadcast_in_dim3A_149 = vector.shape_cast %xor3A_148 : vector<16xi32> to vector<16x1xi32>
          %gather3A_150 = vector.shape_cast %broadcast_in_dim3A_149 : vector<16x1xi32> to vector<16xi32>
          %gather3A_151 = tpu.dynamic_gather %add3A_145[%gather3A_150] in [0] : vector<16xf32>, vector<16xi32> -> vector<16xf32>
          %add3A_152 = arith.addf %add3A_145, %gather3A_151 : vector<16xf32>
          %slice3A = vector.extract_strided_slice %add3A_152 {offsets = [0], sizes = [1], strides = [1]} : vector<16xf32> to vector<1xf32>
          %squeeze3A = vector.extract %slice3A[0] : f32 from vector<1xf32>
          %iota3A_153 = tpu.iota {dimensions = array<i32: 0>} : vector<16xi32>
          %xor3A_154 = arith.constant 8 : i32
          %xor3A_155 = vector.broadcast %xor3A_154 : i32 to vector<16xi32>
          %xor3A_156 = arith.xori %iota3A_153, %xor3A_155 : vector<16xi32>
          %broadcast_in_dim3A_157 = vector.shape_cast %xor3A_156 : vector<16xi32> to vector<16x1xi32>
          %gather3A_158 = vector.shape_cast %broadcast_in_dim3A_157 : vector<16x1xi32> to vector<16xi32>
          %gather3A_159 = tpu.dynamic_gather %scan3A_124#0[%gather3A_158] in [0] : vector<16xf32>, vector<16xi32> -> vector<16xf32>
          %add3A_160 = arith.addf %scan3A_124#0, %gather3A_159 : vector<16xf32>
          %xor3A_161 = arith.constant 4 : i32
          %xor3A_162 = vector.broadcast %xor3A_161 : i32 to vector<16xi32>
          %xor3A_163 = arith.xori %iota3A_153, %xor3A_162 : vector<16xi32>
          %broadcast_in_dim3A_164 = vector.shape_cast %xor3A_163 : vector<16xi32> to vector<16x1xi32>
          %gather3A_165 = vector.shape_cast %broadcast_in_dim3A_164 : vector<16x1xi32> to vector<16xi32>
          %gather3A_166 = tpu.dynamic_gather %add3A_160[%gather3A_165] in [0] : vector<16xf32>, vector<16xi32> -> vector<16xf32>
          %add3A_167 = arith.addf %add3A_160, %gather3A_166 : vector<16xf32>
          %xor3A_168 = arith.constant 2 : i32
          %xor3A_169 = vector.broadcast %xor3A_168 : i32 to vector<16xi32>
          %xor3A_170 = arith.xori %iota3A_153, %xor3A_169 : vector<16xi32>
          %broadcast_in_dim3A_171 = vector.shape_cast %xor3A_170 : vector<16xi32> to vector<16x1xi32>
          %gather3A_172 = vector.shape_cast %broadcast_in_dim3A_171 : vector<16x1xi32> to vector<16xi32>
          %gather3A_173 = tpu.dynamic_gather %add3A_167[%gather3A_172] in [0] : vector<16xf32>, vector<16xi32> -> vector<16xf32>
          %add3A_174 = arith.addf %add3A_167, %gather3A_173 : vector<16xf32>
          %xor3A_175 = arith.constant 1 : i32
          %xor3A_176 = vector.broadcast %xor3A_175 : i32 to vector<16xi32>
          %xor3A_177 = arith.xori %iota3A_153, %xor3A_176 : vector<16xi32>
          %broadcast_in_dim3A_178 = vector.shape_cast %xor3A_177 : vector<16xi32> to vector<16x1xi32>
          %gather3A_179 = vector.shape_cast %broadcast_in_dim3A_178 : vector<16x1xi32> to vector<16xi32>
          %gather3A_180 = tpu.dynamic_gather %add3A_174[%gather3A_179] in [0] : vector<16xf32>, vector<16xi32> -> vector<16xf32>
          %add3A_181 = arith.addf %add3A_174, %gather3A_180 : vector<16xf32>
          %slice3A_182 = vector.extract_strided_slice %add3A_181 {offsets = [0], sizes = [1], strides = [1]} : vector<16xf32> to vector<1xf32>
          %squeeze3A_183 = vector.extract %slice3A_182[0] : f32 from vector<1xf32>
          %sub3A = arith.subf %get3A_109, %squeeze3A_183 : f32
          %mul3A_184 = arith.mulf %mul3A_119, %sub3A : f32
          %add3A_185 = arith.addf %squeeze3A, %mul3A_184 : f32
          %max3A = arith.constant 0.000000e+00 : f32
          %max3A_186 = arith.maximumf %add3A_185, %max3A : f32
          %eq3A = vector.broadcast %scan3A_102 : i32 to vector<16xi32>
          %eq3A_187 = arith.cmpi eq, %iota3A, %eq3A : vector<16xi32>
          %broadcast_in_dim3A_188 = vector.broadcast %max3A_186 : f32 to vector<16xf32>
          %select_n3A = arith.select %eq3A_187, %broadcast_in_dim3A_188, %scan3A_103 : vector<16xi1>, vector<16xf32>
          %eq3A_189 = vector.broadcast %scan3A_102 : i32 to vector<16xi32>
          %eq3A_190 = arith.cmpi eq, %iota3A, %eq3A_189 : vector<16xi32>
          %broadcast_in_dim3A_191 = vector.broadcast %get3A_109 : f32 to vector<16xf32>
          %select_n3A_192 = arith.select %eq3A_190, %broadcast_in_dim3A_191, %scan3A_104 : vector<16xi1>, vector<16xf32>
          scf.yield %select_n3A, %select_n3A_192 : vector<16xf32>, vector<16xf32>
        }
        %scan3A_46 = arith.constant 16 : i32
        %div3A = arith.divf %scan3A_45#0, %scan3A_45#1 : vector<16xf32>
        %mul3A_47 = arith.constant 5.000000e-01 : f32
        %mul3A_48 = vector.broadcast %mul3A_47 : f32 to vector<16xf32>
        %mul3A_49 = arith.mulf %mul3A_48, %div3A : vector<16xf32>
        %add3A_50 = arith.constant 2.500000e-01 : f32
        %add3A_51 = vector.broadcast %add3A_50 : f32 to vector<16xf32>
        %add3A_52 = arith.addf %add3A_51, %mul3A_49 : vector<16xf32>
        %div3A_53 = arith.divf %div3A, %add3A_52 : vector<16xf32>
        %add3A_54 = arith.addf %add3A_52, %div3A_53 : vector<16xf32>
        %mul3A_55 = arith.constant 5.000000e-01 : f32
        %mul3A_56 = vector.broadcast %mul3A_55 : f32 to vector<16xf32>
        %mul3A_57 = arith.mulf %mul3A_56, %add3A_54 : vector<16xf32>
        %div3A_58 = arith.divf %div3A, %mul3A_57 : vector<16xf32>
        %add3A_59 = arith.addf %mul3A_57, %div3A_58 : vector<16xf32>
        %mul3A_60 = arith.constant 5.000000e-01 : f32
        %mul3A_61 = vector.broadcast %mul3A_60 : f32 to vector<16xf32>
        %mul3A_62 = arith.mulf %mul3A_61, %add3A_59 : vector<16xf32>
        %div3A_63 = arith.divf %div3A, %mul3A_62 : vector<16xf32>
        %add3A_64 = arith.addf %mul3A_62, %div3A_63 : vector<16xf32>
        %mul3A_65 = arith.constant 5.000000e-01 : f32
        %mul3A_66 = vector.broadcast %mul3A_65 : f32 to vector<16xf32>
        %mul3A_67 = arith.mulf %mul3A_66, %add3A_64 : vector<16xf32>
        %div3A_68 = arith.divf %div3A, %mul3A_67 : vector<16xf32>
        %add3A_69 = arith.addf %mul3A_67, %div3A_68 : vector<16xf32>
        %mul3A_70 = arith.constant 5.000000e-01 : f32
        %mul3A_71 = vector.broadcast %mul3A_70 : f32 to vector<16xf32>
        %mul3A_72 = arith.mulf %mul3A_71, %add3A_69 : vector<16xf32>
        %div3A_73 = arith.divf %div3A, %mul3A_72 : vector<16xf32>
        %add3A_74 = arith.addf %mul3A_72, %div3A_73 : vector<16xf32>
        %mul3A_75 = arith.constant 5.000000e-01 : f32
        %mul3A_76 = vector.broadcast %mul3A_75 : f32 to vector<16xf32>
        %mul3A_77 = arith.mulf %mul3A_76, %add3A_74 : vector<16xf32>
        %div3A_78 = arith.divf %div3A, %mul3A_77 : vector<16xf32>
        %add3A_79 = arith.addf %mul3A_77, %div3A_78 : vector<16xf32>
        %mul3A_80 = arith.constant 5.000000e-01 : f32
        %mul3A_81 = vector.broadcast %mul3A_80 : f32 to vector<16xf32>
        %mul3A_82 = arith.mulf %mul3A_81, %add3A_79 : vector<16xf32>
        %div3A_83 = arith.divf %div3A, %mul3A_82 : vector<16xf32>
        %add3A_84 = arith.addf %mul3A_82, %div3A_83 : vector<16xf32>
        %mul3A_85 = arith.constant 5.000000e-01 : f32
        %mul3A_86 = vector.broadcast %mul3A_85 : f32 to vector<16xf32>
        %mul3A_87 = arith.mulf %mul3A_86, %add3A_84 : vector<16xf32>
        %div3A_88 = arith.divf %div3A, %mul3A_87 : vector<16xf32>
        %add3A_89 = arith.addf %mul3A_87, %div3A_88 : vector<16xf32>
        %mul3A_90 = arith.constant 5.000000e-01 : f32
        %mul3A_91 = vector.broadcast %mul3A_90 : f32 to vector<16xf32>
        %mul3A_92 = arith.mulf %mul3A_91, %add3A_89 : vector<16xf32>
        %mul3A_93 = arith.constant 48 : i32
        %mul3A_94 = arith.muli %scan3A_28, %mul3A_93 : i32
        %mul3A_95 = arith.constant 16 : i32
        %mul3A_96 = arith.muli %scan3A_39, %mul3A_95 : i32
        %add3A_97 = arith.addi %mul3A_94, %mul3A_96 : i32
        %swap3A = arith.index_cast %add3A_97 : i32 to index
        %swap3A_98 = tpu.vector_load %arg7[%swap3A] {strides = array<i32>} : memref<144xf32, #tpu.memory_space<vmem>>, vector<16xf32>,
        %swap3A_99 = vector.shape_cast %swap3A_98 : vector<16xf32> to vector<16xf32>
        %swap3A_100 = vector.shape_cast %mul3A_92 : vector<16xf32> to vector<16xf32>
        tpu.vector_store %arg7[%swap3A], %swap3A_100 {strides = array<i32>} : memref<144xf32, #tpu.memory_space<vmem>>, vector<16xf32>,
        %scan3A_101 = arith.constant 0 : i32
        scf.yield %scan3A_101 : i32
      }
      %scan3A_37 = arith.constant 3 : i32
      %scan3A_38 = arith.constant 0 : i32
      scf.yield %scan3A_38 : i32
    }
    %scan3A_25 = arith.constant 3 : i32
    %mul3A_26 = arith.constant 48 : i32
    %mul3A_27 = arith.muli %mul3A_2, %mul3A_26 : i32
    "tpu.region"() ({
      %run_scoped3A = tpu.sem_alloc : memref<!tpu.dma_semaphore, #tpu.memory_space<semaphore_mem>>
      %dma_start3A = tpu.memref_slice %arg4[%mul3A_27] : memref<4608xf32, #tpu.memory_space<hbm>> -> memref<144xf32, #tpu.memory_space<hbm>>
      %dma_start3A_28 = tpu.memref_slice %arg4[%mul3A_27] : memref<4608xf32, #tpu.memory_space<hbm>> -> memref<144xf32, #tpu.memory_space<hbm>>
      tpu.enqueue_dma source(%arg7 : memref<144xf32, #tpu.memory_space<vmem>>) target(%dma_start3A_28 : memref<144xf32, #tpu.memory_space<hbm>>) target_semaphore(%run_scoped3A : memref<!tpu.dma_semaphore, #tpu.memory_space<semaphore_mem>>)
      %dma_wait3A = tpu.memref_slice %arg4[%mul3A_27] : memref<4608xf32, #tpu.memory_space<hbm>> -> memref<144xf32, #tpu.memory_space<hbm>>
      %dma_wait3A_29 = tpu.memref_slice %arg4[%mul3A_27] : memref<4608xf32, #tpu.memory_space<hbm>> -> memref<144xf32, #tpu.memory_space<hbm>>
      tpu.wait_dma2 semaphore(%run_scoped3A : memref<!tpu.dma_semaphore, #tpu.memory_space<semaphore_mem>>) src(%arg7 : memref<144xf32, #tpu.memory_space<vmem>>) dst(%dma_wait3A_29 : memref<144xf32, #tpu.memory_space<hbm>>)
      tpu.yield
    }) : () -> ()
    return
  }
}

module attributes {stable_mosaic.version = 14 : i64} {
  func.func @_dtm_tc_body(%arg0: i32, %arg1: memref<48x1024xf32, #tpu.memory_space<vmem>>, %arg2: memref<1x1024x1xf32, #tpu.memory_space<vmem>>, %arg3: memref<1024x928xf32, #tpu.memory_space<vmem>>, %arg4: memref<1x1x928xf32, #tpu.memory_space<vmem>>, %arg5: memref<1024x928xf32, #tpu.memory_space<vmem>>, %arg6: memref<1x928xf32, #tpu.memory_space<vmem>>, %arg7: memref<48x928xi32, #tpu.memory_space<vmem>>, %arg8: memref<48x1xf32, #tpu.memory_space<vmem>>) attributes {dimension_semantics = [#tpu.dimension_semantics<arbitrary>], iteration_bounds = array<i64: 48>, scalar_prefetch = 0 : i64, scratch_operands = 4 : i64, tpu.core_type = #tpu.core_type<tc>, window_params = [{pipeline_mode = #tpu.pipeline_mode<synchronous>, transform_indices = @transform_0, window_bounds = array<i64: 48, 1024>}, {transform_indices = @transform_1, window_bounds = array<i64: 1, 1024, 1>}, {pipeline_mode = #tpu.pipeline_mode<synchronous>, transform_indices = @transform_2, window_bounds = array<i64: 1024, 928>}, {transform_indices = @transform_3, window_bounds = array<i64: 1, 1, 928>}]} {
    %eq3A = arith.constant 0 : i32
    %eq3A_0 = arith.cmpi eq, %arg0, %eq3A : i32
    %convert_element_type3A = arith.extui %eq3A_0 : i1 to i32
    %cond3A = arith.constant 0 : i32
    %cond3A_1 = arith.cmpi ne, %convert_element_type3A, %cond3A : i32
    scf.if %cond3A_1 {
      %get3A_58 = arith.constant 0 : index
      %get3A_59 = arith.constant 0 : index
      %get3A_60 = vector.load %arg3[%get3A_58, %get3A_59] : memref<1024x928xf32, #tpu.memory_space<vmem>>, vector<1024x928xf32>
      %mul3A_61 = arith.mulf %get3A_60, %get3A_60 : vector<1024x928xf32>
      %swap3A_62 = arith.constant 0 : index
      %swap3A_63 = arith.constant 0 : index
      %swap3A_64 = vector.load %arg5[%swap3A_62, %swap3A_63] : memref<1024x928xf32, #tpu.memory_space<vmem>>, vector<1024x928xf32>
      tpu.vector_store %arg5[%swap3A_62, %swap3A_63], %mul3A_61 {strides = array<i32>} : memref<1024x928xf32, #tpu.memory_space<vmem>>, vector<1024x928xf32>,
      %reduce_max3A = arith.constant dense<0xFF800000> : vector<928xf32>
      %reduce_max3A_65 = vector.multi_reduction <maximumf>, %mul3A_61, %reduce_max3A [0] : vector<1024x928xf32> to vector<928xf32>
      %broadcast_in_dim3A_66 = vector.shape_cast %reduce_max3A_65 : vector<928xf32> to vector<1x928xf32>
      %swap3A_67 = arith.constant 0 : index
      %swap3A_68 = arith.constant 0 : index
      %swap3A_69 = vector.load %arg6[%swap3A_67, %swap3A_68] : memref<1x928xf32, #tpu.memory_space<vmem>>, vector<1x928xf32>
      tpu.vector_store %arg6[%swap3A_67, %swap3A_68], %broadcast_in_dim3A_66 {strides = array<i32>} : memref<1x928xf32, #tpu.memory_space<vmem>>, vector<1x928xf32>,
      %get3A_70 = arith.constant 0 : index
      %get3A_71 = arith.constant 0 : index
      %get3A_72 = vector.load %arg1[%get3A_70, %get3A_71] : memref<48x1024xf32, #tpu.memory_space<vmem>>, vector<48x1024xf32>
      %reduce_sum3A_73 = arith.constant dense<0.000000e+00> : vector<48xf32>
      %reduce_sum3A_74 = vector.multi_reduction <add>, %get3A_72, %reduce_sum3A_73 [1] : vector<48x1024xf32> to vector<48xf32>
      %broadcast_in_dim3A_75 = vector.shape_cast %reduce_sum3A_74 : vector<48xf32> to vector<48x1xf32>
      %mul3A_76 = arith.constant 5.000000e-02 : f32
      %mul3A_77 = vector.broadcast %mul3A_76 : f32 to vector<48x1xf32>
      %mul3A_78 = arith.mulf %mul3A_77, %broadcast_in_dim3A_75 : vector<48x1xf32>
      %swap3A_79 = arith.constant 0 : index
      %swap3A_80 = arith.constant 0 : index
      %swap3A_81 = vector.load %arg8[%swap3A_79, %swap3A_80] : memref<48x1xf32, #tpu.memory_space<vmem>>, vector<48x1xf32>
      tpu.vector_store %arg8[%swap3A_79, %swap3A_80], %mul3A_78 {strides = array<i32>} : memref<48x1xf32, #tpu.memory_space<vmem>>, vector<48x1xf32>,
      %sub3A_82 = arith.constant -7.812500e-03 : f32
      %sub3A_83 = vector.broadcast %sub3A_82 : f32 to vector<1x928xf32>
      %sub3A_84 = arith.subf %broadcast_in_dim3A_66, %sub3A_83 : vector<1x928xf32>
      %convert_element_type3A_85 = arith.truncf %get3A_72 : vector<48x1024xf32> to vector<48x1024xbf16>
      %broadcast_in_dim3A_86 = arith.constant 0 : i32
      %broadcast_in_dim3A_87 = vector.broadcast %broadcast_in_dim3A_86 : i32 to vector<48x928xi32>
      %mul3A_88 = arith.constant 5.000000e-01 : f32
      %mul3A_89 = vector.broadcast %mul3A_88 : f32 to vector<1x928xf32>
      %mul3A_90 = arith.mulf %mul3A_89, %sub3A_84 : vector<1x928xf32>
      %add3A_91 = arith.constant -7.812500e-03 : f32
      %add3A_92 = vector.broadcast %add3A_91 : f32 to vector<1x928xf32>
      %add3A_93 = arith.addf %add3A_92, %mul3A_90 : vector<1x928xf32>
      %le3A_94 = vector.broadcast %add3A_93 : vector<1x928xf32> to vector<1024x928xf32>
      %le3A_95 = arith.cmpf ole, %mul3A_61, %le3A_94 : vector<1024x928xf32>
      %jit3A_96 = arith.constant 1.000000e+00 : f32
      %jit3A_97 = arith.constant 0.000000e+00 : f32
      %broadcast_in_dim3A_98 = vector.broadcast %jit3A_96 : f32 to vector<1024x928xf32>
      %broadcast_in_dim3A_99 = vector.broadcast %jit3A_97 : f32 to vector<1024x928xf32>
      %select_n3A_100 = arith.select %le3A_95, %broadcast_in_dim3A_98, %broadcast_in_dim3A_99 : vector<1024x928xi1>, vector<1024x928xf32>
      %convert_element_type3A_101 = arith.truncf %select_n3A_100 : vector<1024x928xf32> to vector<1024x928xbf16>
      %dot_general3A = arith.constant dense<0.000000e+00> : vector<48x928xf32>
      %dot_general3A_102 = tpu.matmul %convert_element_type3A_85, %convert_element_type3A_101, %dot_general3A {dimension_numbers = #tpu.dot_dimension_numbers<[1], [0], [0], [1], [0, 0, 1, 1], [], []>, transpose_lhs_hint = false} : vector<48x1024xbf16>, vector<1024x928xbf16>, vector<48x928xf32> -> vector<48x928xf32>
      %ge3A = vector.broadcast %mul3A_78 : vector<48x1xf32> to vector<48x928xf32>
      %ge3A_103 = arith.cmpf oge, %dot_general3A_102, %ge3A : vector<48x928xf32>
      %mul3A_104 = arith.constant 2 : i32
      %mul3A_105 = vector.broadcast %mul3A_104 : i32 to vector<48x928xi32>
      %mul3A_106 = arith.muli %mul3A_105, %broadcast_in_dim3A_87 : vector<48x928xi32>
      %jit3A_107 = arith.constant 0 : i32
      %jit3A_108 = arith.constant 1 : i32
      %broadcast_in_dim3A_109 = vector.broadcast %jit3A_107 : i32 to vector<48x928xi32>
      %broadcast_in_dim3A_110 = vector.broadcast %jit3A_108 : i32 to vector<48x928xi32>
      %select_n3A_111 = arith.select %ge3A_103, %broadcast_in_dim3A_109, %broadcast_in_dim3A_110 : vector<48x928xi1>, vector<48x928xi32>
      %add3A_112 = arith.addi %mul3A_106, %select_n3A_111 : vector<48x928xi32>
      %mul3A_113 = arith.constant 2.500000e-01 : f32
      %mul3A_114 = vector.broadcast %mul3A_113 : f32 to vector<1x928xf32>
      %mul3A_115 = arith.mulf %mul3A_114, %sub3A_84 : vector<1x928xf32>
      %add3A_116 = arith.constant -7.812500e-03 : f32
      %add3A_117 = vector.broadcast %add3A_116 : f32 to vector<1x928xf32>
      %add3A_118 = arith.addf %add3A_117, %mul3A_115 : vector<1x928xf32>
      %le3A_119 = vector.broadcast %add3A_118 : vector<1x928xf32> to vector<1024x928xf32>
      %le3A_120 = arith.cmpf ole, %mul3A_61, %le3A_119 : vector<1024x928xf32>
      %jit3A_121 = arith.constant 1.000000e+00 : f32
      %jit3A_122 = arith.constant 0.000000e+00 : f32
      %broadcast_in_dim3A_123 = vector.broadcast %jit3A_121 : f32 to vector<1024x928xf32>
      %broadcast_in_dim3A_124 = vector.broadcast %jit3A_122 : f32 to vector<1024x928xf32>
      %select_n3A_125 = arith.select %le3A_120, %broadcast_in_dim3A_123, %broadcast_in_dim3A_124 : vector<1024x928xi1>, vector<1024x928xf32>
      %convert_element_type3A_126 = arith.truncf %select_n3A_125 : vector<1024x928xf32> to vector<1024x928xbf16>
      %dot_general3A_127 = arith.constant dense<0.000000e+00> : vector<48x928xf32>
      %dot_general3A_128 = tpu.matmul %convert_element_type3A_85, %convert_element_type3A_126, %dot_general3A_127 {dimension_numbers = #tpu.dot_dimension_numbers<[1], [0], [0], [1], [0, 0, 1, 1], [], []>, transpose_lhs_hint = false} : vector<48x1024xbf16>, vector<1024x928xbf16>, vector<48x928xf32> -> vector<48x928xf32>
      %mul3A_129 = arith.constant 7.500000e-01 : f32
      %mul3A_130 = vector.broadcast %mul3A_129 : f32 to vector<1x928xf32>
      %mul3A_131 = arith.mulf %mul3A_130, %sub3A_84 : vector<1x928xf32>
      %add3A_132 = arith.constant -7.812500e-03 : f32
      %add3A_133 = vector.broadcast %add3A_132 : f32 to vector<1x928xf32>
      %add3A_134 = arith.addf %add3A_133, %mul3A_131 : vector<1x928xf32>
      %le3A_135 = vector.broadcast %add3A_134 : vector<1x928xf32> to vector<1024x928xf32>
      %le3A_136 = arith.cmpf ole, %mul3A_61, %le3A_135 : vector<1024x928xf32>
      %jit3A_137 = arith.constant 1.000000e+00 : f32
      %jit3A_138 = arith.constant 0.000000e+00 : f32
      %broadcast_in_dim3A_139 = vector.broadcast %jit3A_137 : f32 to vector<1024x928xf32>
      %broadcast_in_dim3A_140 = vector.broadcast %jit3A_138 : f32 to vector<1024x928xf32>
      %select_n3A_141 = arith.select %le3A_136, %broadcast_in_dim3A_139, %broadcast_in_dim3A_140 : vector<1024x928xi1>, vector<1024x928xf32>
      %convert_element_type3A_142 = arith.truncf %select_n3A_141 : vector<1024x928xf32> to vector<1024x928xbf16>
      %dot_general3A_143 = arith.constant dense<0.000000e+00> : vector<48x928xf32>
      %dot_general3A_144 = tpu.matmul %convert_element_type3A_85, %convert_element_type3A_142, %dot_general3A_143 {dimension_numbers = #tpu.dot_dimension_numbers<[1], [0], [0], [1], [0, 0, 1, 1], [], []>, transpose_lhs_hint = false} : vector<48x1024xbf16>, vector<1024x928xbf16>, vector<48x928xf32> -> vector<48x928xf32>
      %eq3A_145 = arith.constant 1 : i32
      %eq3A_146 = vector.broadcast %eq3A_145 : i32 to vector<48x928xi32>
      %eq3A_147 = arith.cmpi eq, %add3A_112, %eq3A_146 : vector<48x928xi32>
      %select_n3A_148 = arith.select %eq3A_147, %dot_general3A_144, %dot_general3A_128 : vector<48x928xi1>, vector<48x928xf32>
      %ge3A_149 = vector.broadcast %mul3A_78 : vector<48x1xf32> to vector<48x928xf32>
      %ge3A_150 = arith.cmpf oge, %select_n3A_148, %ge3A_149 : vector<48x928xf32>
      %mul3A_151 = arith.constant 2 : i32
      %mul3A_152 = vector.broadcast %mul3A_151 : i32 to vector<48x928xi32>
      %mul3A_153 = arith.muli %mul3A_152, %add3A_112 : vector<48x928xi32>
      %jit3A_154 = arith.constant 0 : i32
      %jit3A_155 = arith.constant 1 : i32
      %broadcast_in_dim3A_156 = vector.broadcast %jit3A_154 : i32 to vector<48x928xi32>
      %broadcast_in_dim3A_157 = vector.broadcast %jit3A_155 : i32 to vector<48x928xi32>
      %select_n3A_158 = arith.select %ge3A_150, %broadcast_in_dim3A_156, %broadcast_in_dim3A_157 : vector<48x928xi1>, vector<48x928xi32>
      %add3A_159 = arith.addi %mul3A_153, %select_n3A_158 : vector<48x928xi32>
      %mul3A_160 = arith.constant 1.250000e-01 : f32
      %mul3A_161 = vector.broadcast %mul3A_160 : f32 to vector<1x928xf32>
      %mul3A_162 = arith.mulf %mul3A_161, %sub3A_84 : vector<1x928xf32>
      %add3A_163 = arith.constant -7.812500e-03 : f32
      %add3A_164 = vector.broadcast %add3A_163 : f32 to vector<1x928xf32>
      %add3A_165 = arith.addf %add3A_164, %mul3A_162 : vector<1x928xf32>
      %le3A_166 = vector.broadcast %add3A_165 : vector<1x928xf32> to vector<1024x928xf32>
      %le3A_167 = arith.cmpf ole, %mul3A_61, %le3A_166 : vector<1024x928xf32>
      %jit3A_168 = arith.constant 1.000000e+00 : f32
      %jit3A_169 = arith.constant 0.000000e+00 : f32
      %broadcast_in_dim3A_170 = vector.broadcast %jit3A_168 : f32 to vector<1024x928xf32>
      %broadcast_in_dim3A_171 = vector.broadcast %jit3A_169 : f32 to vector<1024x928xf32>
      %select_n3A_172 = arith.select %le3A_167, %broadcast_in_dim3A_170, %broadcast_in_dim3A_171 : vector<1024x928xi1>, vector<1024x928xf32>
      %convert_element_type3A_173 = arith.truncf %select_n3A_172 : vector<1024x928xf32> to vector<1024x928xbf16>
      %dot_general3A_174 = arith.constant dense<0.000000e+00> : vector<48x928xf32>
      %dot_general3A_175 = tpu.matmul %convert_element_type3A_85, %convert_element_type3A_173, %dot_general3A_174 {dimension_numbers = #tpu.dot_dimension_numbers<[1], [0], [0], [1], [0, 0, 1, 1], [], []>, transpose_lhs_hint = false} : vector<48x1024xbf16>, vector<1024x928xbf16>, vector<48x928xf32> -> vector<48x928xf32>
      %mul3A_176 = arith.constant 3.750000e-01 : f32
      %mul3A_177 = vector.broadcast %mul3A_176 : f32 to vector<1x928xf32>
      %mul3A_178 = arith.mulf %mul3A_177, %sub3A_84 : vector<1x928xf32>
      %add3A_179 = arith.constant -7.812500e-03 : f32
      %add3A_180 = vector.broadcast %add3A_179 : f32 to vector<1x928xf32>
      %add3A_181 = arith.addf %add3A_180, %mul3A_178 : vector<1x928xf32>
      %le3A_182 = vector.broadcast %add3A_181 : vector<1x928xf32> to vector<1024x928xf32>
      %le3A_183 = arith.cmpf ole, %mul3A_61, %le3A_182 : vector<1024x928xf32>
      %jit3A_184 = arith.constant 1.000000e+00 : f32
      %jit3A_185 = arith.constant 0.000000e+00 : f32
      %broadcast_in_dim3A_186 = vector.broadcast %jit3A_184 : f32 to vector<1024x928xf32>
      %broadcast_in_dim3A_187 = vector.broadcast %jit3A_185 : f32 to vector<1024x928xf32>
      %select_n3A_188 = arith.select %le3A_183, %broadcast_in_dim3A_186, %broadcast_in_dim3A_187 : vector<1024x928xi1>, vector<1024x928xf32>
      %convert_element_type3A_189 = arith.truncf %select_n3A_188 : vector<1024x928xf32> to vector<1024x928xbf16>
      %dot_general3A_190 = arith.constant dense<0.000000e+00> : vector<48x928xf32>
      %dot_general3A_191 = tpu.matmul %convert_element_type3A_85, %convert_element_type3A_189, %dot_general3A_190 {dimension_numbers = #tpu.dot_dimension_numbers<[1], [0], [0], [1], [0, 0, 1, 1], [], []>, transpose_lhs_hint = false} : vector<48x1024xbf16>, vector<1024x928xbf16>, vector<48x928xf32> -> vector<48x928xf32>
      %mul3A_192 = arith.constant 6.250000e-01 : f32
      %mul3A_193 = vector.broadcast %mul3A_192 : f32 to vector<1x928xf32>
      %mul3A_194 = arith.mulf %mul3A_193, %sub3A_84 : vector<1x928xf32>
      %add3A_195 = arith.constant -7.812500e-03 : f32
      %add3A_196 = vector.broadcast %add3A_195 : f32 to vector<1x928xf32>
      %add3A_197 = arith.addf %add3A_196, %mul3A_194 : vector<1x928xf32>
      %le3A_198 = vector.broadcast %add3A_197 : vector<1x928xf32> to vector<1024x928xf32>
      %le3A_199 = arith.cmpf ole, %mul3A_61, %le3A_198 : vector<1024x928xf32>
      %jit3A_200 = arith.constant 1.000000e+00 : f32
      %jit3A_201 = arith.constant 0.000000e+00 : f32
      %broadcast_in_dim3A_202 = vector.broadcast %jit3A_200 : f32 to vector<1024x928xf32>
      %broadcast_in_dim3A_203 = vector.broadcast %jit3A_201 : f32 to vector<1024x928xf32>
      %select_n3A_204 = arith.select %le3A_199, %broadcast_in_dim3A_202, %broadcast_in_dim3A_203 : vector<1024x928xi1>, vector<1024x928xf32>
      %convert_element_type3A_205 = arith.truncf %select_n3A_204 : vector<1024x928xf32> to vector<1024x928xbf16>
      %dot_general3A_206 = arith.constant dense<0.000000e+00> : vector<48x928xf32>
      %dot_general3A_207 = tpu.matmul %convert_element_type3A_85, %convert_element_type3A_205, %dot_general3A_206 {dimension_numbers = #tpu.dot_dimension_numbers<[1], [0], [0], [1], [0, 0, 1, 1], [], []>, transpose_lhs_hint = false} : vector<48x1024xbf16>, vector<1024x928xbf16>, vector<48x928xf32> -> vector<48x928xf32>
      %mul3A_208 = arith.constant 8.750000e-01 : f32
      %mul3A_209 = vector.broadcast %mul3A_208 : f32 to vector<1x928xf32>
      %mul3A_210 = arith.mulf %mul3A_209, %sub3A_84 : vector<1x928xf32>
      %add3A_211 = arith.constant -7.812500e-03 : f32
      %add3A_212 = vector.broadcast %add3A_211 : f32 to vector<1x928xf32>
      %add3A_213 = arith.addf %add3A_212, %mul3A_210 : vector<1x928xf32>
      %le3A_214 = vector.broadcast %add3A_213 : vector<1x928xf32> to vector<1024x928xf32>
      %le3A_215 = arith.cmpf ole, %mul3A_61, %le3A_214 : vector<1024x928xf32>
      %jit3A_216 = arith.constant 1.000000e+00 : f32
      %jit3A_217 = arith.constant 0.000000e+00 : f32
      %broadcast_in_dim3A_218 = vector.broadcast %jit3A_216 : f32 to vector<1024x928xf32>
      %broadcast_in_dim3A_219 = vector.broadcast %jit3A_217 : f32 to vector<1024x928xf32>
      %select_n3A_220 = arith.select %le3A_215, %broadcast_in_dim3A_218, %broadcast_in_dim3A_219 : vector<1024x928xi1>, vector<1024x928xf32>
      %convert_element_type3A_221 = arith.truncf %select_n3A_220 : vector<1024x928xf32> to vector<1024x928xbf16>
      %dot_general3A_222 = arith.constant dense<0.000000e+00> : vector<48x928xf32>
      %dot_general3A_223 = tpu.matmul %convert_element_type3A_85, %convert_element_type3A_221, %dot_general3A_222 {dimension_numbers = #tpu.dot_dimension_numbers<[1], [0], [0], [1], [0, 0, 1, 1], [], []>, transpose_lhs_hint = false} : vector<48x1024xbf16>, vector<1024x928xbf16>, vector<48x928xf32> -> vector<48x928xf32>
      %eq3A_224 = arith.constant 1 : i32
      %eq3A_225 = vector.broadcast %eq3A_224 : i32 to vector<48x928xi32>
      %eq3A_226 = arith.cmpi eq, %add3A_159, %eq3A_225 : vector<48x928xi32>
      %select_n3A_227 = arith.select %eq3A_226, %dot_general3A_191, %dot_general3A_175 : vector<48x928xi1>, vector<48x928xf32>
      %eq3A_228 = arith.constant 2 : i32
      %eq3A_229 = vector.broadcast %eq3A_228 : i32 to vector<48x928xi32>
      %eq3A_230 = arith.cmpi eq, %add3A_159, %eq3A_229 : vector<48x928xi32>
      %select_n3A_231 = arith.select %eq3A_230, %dot_general3A_207, %select_n3A_227 : vector<48x928xi1>, vector<48x928xf32>
      %eq3A_232 = arith.constant 3 : i32
      %eq3A_233 = vector.broadcast %eq3A_232 : i32 to vector<48x928xi32>
      %eq3A_234 = arith.cmpi eq, %add3A_159, %eq3A_233 : vector<48x928xi32>
      %select_n3A_235 = arith.select %eq3A_234, %dot_general3A_223, %select_n3A_231 : vector<48x928xi1>, vector<48x928xf32>
      %ge3A_236 = vector.broadcast %mul3A_78 : vector<48x1xf32> to vector<48x928xf32>
      %ge3A_237 = arith.cmpf oge, %select_n3A_235, %ge3A_236 : vector<48x928xf32>
      %mul3A_238 = arith.constant 2 : i32
      %mul3A_239 = vector.broadcast %mul3A_238 : i32 to vector<48x928xi32>
      %mul3A_240 = arith.muli %mul3A_239, %add3A_159 : vector<48x928xi32>
      %jit3A_241 = arith.constant 0 : i32
      %jit3A_242 = arith.constant 1 : i32
      %broadcast_in_dim3A_243 = vector.broadcast %jit3A_241 : i32 to vector<48x928xi32>
      %broadcast_in_dim3A_244 = vector.broadcast %jit3A_242 : i32 to vector<48x928xi32>
      %select_n3A_245 = arith.select %ge3A_237, %broadcast_in_dim3A_243, %broadcast_in_dim3A_244 : vector<48x928xi1>, vector<48x928xi32>
      %add3A_246 = arith.addi %mul3A_240, %select_n3A_245 : vector<48x928xi32>
      %mul3A_247 = arith.constant 6.250000e-02 : f32
      %mul3A_248 = vector.broadcast %mul3A_247 : f32 to vector<1x928xf32>
      %mul3A_249 = arith.mulf %mul3A_248, %sub3A_84 : vector<1x928xf32>
      %add3A_250 = arith.constant -7.812500e-03 : f32
      %add3A_251 = vector.broadcast %add3A_250 : f32 to vector<1x928xf32>
      %add3A_252 = arith.addf %add3A_251, %mul3A_249 : vector<1x928xf32>
      %le3A_253 = vector.broadcast %add3A_252 : vector<1x928xf32> to vector<1024x928xf32>
      %le3A_254 = arith.cmpf ole, %mul3A_61, %le3A_253 : vector<1024x928xf32>
      %jit3A_255 = arith.constant 1.000000e+00 : f32
      %jit3A_256 = arith.constant 0.000000e+00 : f32
      %broadcast_in_dim3A_257 = vector.broadcast %jit3A_255 : f32 to vector<1024x928xf32>
      %broadcast_in_dim3A_258 = vector.broadcast %jit3A_256 : f32 to vector<1024x928xf32>
      %select_n3A_259 = arith.select %le3A_254, %broadcast_in_dim3A_257, %broadcast_in_dim3A_258 : vector<1024x928xi1>, vector<1024x928xf32>
      %convert_element_type3A_260 = arith.truncf %select_n3A_259 : vector<1024x928xf32> to vector<1024x928xbf16>
      %dot_general3A_261 = arith.constant dense<0.000000e+00> : vector<48x928xf32>
      %dot_general3A_262 = tpu.matmul %convert_element_type3A_85, %convert_element_type3A_260, %dot_general3A_261 {dimension_numbers = #tpu.dot_dimension_numbers<[1], [0], [0], [1], [0, 0, 1, 1], [], []>, transpose_lhs_hint = false} : vector<48x1024xbf16>, vector<1024x928xbf16>, vector<48x928xf32> -> vector<48x928xf32>
      %mul3A_263 = arith.constant 1.875000e-01 : f32
      %mul3A_264 = vector.broadcast %mul3A_263 : f32 to vector<1x928xf32>
      %mul3A_265 = arith.mulf %mul3A_264, %sub3A_84 : vector<1x928xf32>
      %add3A_266 = arith.constant -7.812500e-03 : f32
      %add3A_267 = vector.broadcast %add3A_266 : f32 to vector<1x928xf32>
      %add3A_268 = arith.addf %add3A_267, %mul3A_265 : vector<1x928xf32>
      %le3A_269 = vector.broadcast %add3A_268 : vector<1x928xf32> to vector<1024x928xf32>
      %le3A_270 = arith.cmpf ole, %mul3A_61, %le3A_269 : vector<1024x928xf32>
      %jit3A_271 = arith.constant 1.000000e+00 : f32
      %jit3A_272 = arith.constant 0.000000e+00 : f32
      %broadcast_in_dim3A_273 = vector.broadcast %jit3A_271 : f32 to vector<1024x928xf32>
      %broadcast_in_dim3A_274 = vector.broadcast %jit3A_272 : f32 to vector<1024x928xf32>
      %select_n3A_275 = arith.select %le3A_270, %broadcast_in_dim3A_273, %broadcast_in_dim3A_274 : vector<1024x928xi1>, vector<1024x928xf32>
      %convert_element_type3A_276 = arith.truncf %select_n3A_275 : vector<1024x928xf32> to vector<1024x928xbf16>
      %dot_general3A_277 = arith.constant dense<0.000000e+00> : vector<48x928xf32>
      %dot_general3A_278 = tpu.matmul %convert_element_type3A_85, %convert_element_type3A_276, %dot_general3A_277 {dimension_numbers = #tpu.dot_dimension_numbers<[1], [0], [0], [1], [0, 0, 1, 1], [], []>, transpose_lhs_hint = false} : vector<48x1024xbf16>, vector<1024x928xbf16>, vector<48x928xf32> -> vector<48x928xf32>
      %mul3A_279 = arith.constant 3.125000e-01 : f32
      %mul3A_280 = vector.broadcast %mul3A_279 : f32 to vector<1x928xf32>
      %mul3A_281 = arith.mulf %mul3A_280, %sub3A_84 : vector<1x928xf32>
      %add3A_282 = arith.constant -7.812500e-03 : f32
      %add3A_283 = vector.broadcast %add3A_282 : f32 to vector<1x928xf32>
      %add3A_284 = arith.addf %add3A_283, %mul3A_281 : vector<1x928xf32>
      %le3A_285 = vector.broadcast %add3A_284 : vector<1x928xf32> to vector<1024x928xf32>
      %le3A_286 = arith.cmpf ole, %mul3A_61, %le3A_285 : vector<1024x928xf32>
      %jit3A_287 = arith.constant 1.000000e+00 : f32
      %jit3A_288 = arith.constant 0.000000e+00 : f32
      %broadcast_in_dim3A_289 = vector.broadcast %jit3A_287 : f32 to vector<1024x928xf32>
      %broadcast_in_dim3A_290 = vector.broadcast %jit3A_288 : f32 to vector<1024x928xf32>
      %select_n3A_291 = arith.select %le3A_286, %broadcast_in_dim3A_289, %broadcast_in_dim3A_290 : vector<1024x928xi1>, vector<1024x928xf32>
      %convert_element_type3A_292 = arith.truncf %select_n3A_291 : vector<1024x928xf32> to vector<1024x928xbf16>
      %dot_general3A_293 = arith.constant dense<0.000000e+00> : vector<48x928xf32>
      %dot_general3A_294 = tpu.matmul %convert_element_type3A_85, %convert_element_type3A_292, %dot_general3A_293 {dimension_numbers = #tpu.dot_dimension_numbers<[1], [0], [0], [1], [0, 0, 1, 1], [], []>, transpose_lhs_hint = false} : vector<48x1024xbf16>, vector<1024x928xbf16>, vector<48x928xf32> -> vector<48x928xf32>
      %mul3A_295 = arith.constant 4.375000e-01 : f32
      %mul3A_296 = vector.broadcast %mul3A_295 : f32 to vector<1x928xf32>
      %mul3A_297 = arith.mulf %mul3A_296, %sub3A_84 : vector<1x928xf32>
      %add3A_298 = arith.constant -7.812500e-03 : f32
      %add3A_299 = vector.broadcast %add3A_298 : f32 to vector<1x928xf32>
      %add3A_300 = arith.addf %add3A_299, %mul3A_297 : vector<1x928xf32>
      %le3A_301 = vector.broadcast %add3A_300 : vector<1x928xf32> to vector<1024x928xf32>
      %le3A_302 = arith.cmpf ole, %mul3A_61, %le3A_301 : vector<1024x928xf32>
      %jit3A_303 = arith.constant 1.000000e+00 : f32
      %jit3A_304 = arith.constant 0.000000e+00 : f32
      %broadcast_in_dim3A_305 = vector.broadcast %jit3A_303 : f32 to vector<1024x928xf32>
      %broadcast_in_dim3A_306 = vector.broadcast %jit3A_304 : f32 to vector<1024x928xf32>
      %select_n3A_307 = arith.select %le3A_302, %broadcast_in_dim3A_305, %broadcast_in_dim3A_306 : vector<1024x928xi1>, vector<1024x928xf32>
      %convert_element_type3A_308 = arith.truncf %select_n3A_307 : vector<1024x928xf32> to vector<1024x928xbf16>
      %dot_general3A_309 = arith.constant dense<0.000000e+00> : vector<48x928xf32>
      %dot_general3A_310 = tpu.matmul %convert_element_type3A_85, %convert_element_type3A_308, %dot_general3A_309 {dimension_numbers = #tpu.dot_dimension_numbers<[1], [0], [0], [1], [0, 0, 1, 1], [], []>, transpose_lhs_hint = false} : vector<48x1024xbf16>, vector<1024x928xbf16>, vector<48x928xf32> -> vector<48x928xf32>
      %mul3A_311 = arith.constant 5.625000e-01 : f32
      %mul3A_312 = vector.broadcast %mul3A_311 : f32 to vector<1x928xf32>
      %mul3A_313 = arith.mulf %mul3A_312, %sub3A_84 : vector<1x928xf32>
      %add3A_314 = arith.constant -7.812500e-03 : f32
      %add3A_315 = vector.broadcast %add3A_314 : f32 to vector<1x928xf32>
      %add3A_316 = arith.addf %add3A_315, %mul3A_313 : vector<1x928xf32>
      %le3A_317 = vector.broadcast %add3A_316 : vector<1x928xf32> to vector<1024x928xf32>
      %le3A_318 = arith.cmpf ole, %mul3A_61, %le3A_317 : vector<1024x928xf32>
      %jit3A_319 = arith.constant 1.000000e+00 : f32
      %jit3A_320 = arith.constant 0.000000e+00 : f32
      %broadcast_in_dim3A_321 = vector.broadcast %jit3A_319 : f32 to vector<1024x928xf32>
      %broadcast_in_dim3A_322 = vector.broadcast %jit3A_320 : f32 to vector<1024x928xf32>
      %select_n3A_323 = arith.select %le3A_318, %broadcast_in_dim3A_321, %broadcast_in_dim3A_322 : vector<1024x928xi1>, vector<1024x928xf32>
      %convert_element_type3A_324 = arith.truncf %select_n3A_323 : vector<1024x928xf32> to vector<1024x928xbf16>
      %dot_general3A_325 = arith.constant dense<0.000000e+00> : vector<48x928xf32>
      %dot_general3A_326 = tpu.matmul %convert_element_type3A_85, %convert_element_type3A_324, %dot_general3A_325 {dimension_numbers = #tpu.dot_dimension_numbers<[1], [0], [0], [1], [0, 0, 1, 1], [], []>, transpose_lhs_hint = false} : vector<48x1024xbf16>, vector<1024x928xbf16>, vector<48x928xf32> -> vector<48x928xf32>
      %mul3A_327 = arith.constant 6.875000e-01 : f32
      %mul3A_328 = vector.broadcast %mul3A_327 : f32 to vector<1x928xf32>
      %mul3A_329 = arith.mulf %mul3A_328, %sub3A_84 : vector<1x928xf32>
      %add3A_330 = arith.constant -7.812500e-03 : f32
      %add3A_331 = vector.broadcast %add3A_330 : f32 to vector<1x928xf32>
      %add3A_332 = arith.addf %add3A_331, %mul3A_329 : vector<1x928xf32>
      %le3A_333 = vector.broadcast %add3A_332 : vector<1x928xf32> to vector<1024x928xf32>
      %le3A_334 = arith.cmpf ole, %mul3A_61, %le3A_333 : vector<1024x928xf32>
      %jit3A_335 = arith.constant 1.000000e+00 : f32
      %jit3A_336 = arith.constant 0.000000e+00 : f32
      %broadcast_in_dim3A_337 = vector.broadcast %jit3A_335 : f32 to vector<1024x928xf32>
      %broadcast_in_dim3A_338 = vector.broadcast %jit3A_336 : f32 to vector<1024x928xf32>
      %select_n3A_339 = arith.select %le3A_334, %broadcast_in_dim3A_337, %broadcast_in_dim3A_338 : vector<1024x928xi1>, vector<1024x928xf32>
      %convert_element_type3A_340 = arith.truncf %select_n3A_339 : vector<1024x928xf32> to vector<1024x928xbf16>
      %dot_general3A_341 = arith.constant dense<0.000000e+00> : vector<48x928xf32>
      %dot_general3A_342 = tpu.matmul %convert_element_type3A_85, %convert_element_type3A_340, %dot_general3A_341 {dimension_numbers = #tpu.dot_dimension_numbers<[1], [0], [0], [1], [0, 0, 1, 1], [], []>, transpose_lhs_hint = false} : vector<48x1024xbf16>, vector<1024x928xbf16>, vector<48x928xf32> -> vector<48x928xf32>
      %mul3A_343 = arith.constant 8.125000e-01 : f32
      %mul3A_344 = vector.broadcast %mul3A_343 : f32 to vector<1x928xf32>
      %mul3A_345 = arith.mulf %mul3A_344, %sub3A_84 : vector<1x928xf32>
      %add3A_346 = arith.constant -7.812500e-03 : f32
      %add3A_347 = vector.broadcast %add3A_346 : f32 to vector<1x928xf32>
      %add3A_348 = arith.addf %add3A_347, %mul3A_345 : vector<1x928xf32>
      %le3A_349 = vector.broadcast %add3A_348 : vector<1x928xf32> to vector<1024x928xf32>
      %le3A_350 = arith.cmpf ole, %mul3A_61, %le3A_349 : vector<1024x928xf32>
      %jit3A_351 = arith.constant 1.000000e+00 : f32
      %jit3A_352 = arith.constant 0.000000e+00 : f32
      %broadcast_in_dim3A_353 = vector.broadcast %jit3A_351 : f32 to vector<1024x928xf32>
      %broadcast_in_dim3A_354 = vector.broadcast %jit3A_352 : f32 to vector<1024x928xf32>
      %select_n3A_355 = arith.select %le3A_350, %broadcast_in_dim3A_353, %broadcast_in_dim3A_354 : vector<1024x928xi1>, vector<1024x928xf32>
      %convert_element_type3A_356 = arith.truncf %select_n3A_355 : vector<1024x928xf32> to vector<1024x928xbf16>
      %dot_general3A_357 = arith.constant dense<0.000000e+00> : vector<48x928xf32>
      %dot_general3A_358 = tpu.matmul %convert_element_type3A_85, %convert_element_type3A_356, %dot_general3A_357 {dimension_numbers = #tpu.dot_dimension_numbers<[1], [0], [0], [1], [0, 0, 1, 1], [], []>, transpose_lhs_hint = false} : vector<48x1024xbf16>, vector<1024x928xbf16>, vector<48x928xf32> -> vector<48x928xf32>
      %mul3A_359 = arith.constant 9.375000e-01 : f32
      %mul3A_360 = vector.broadcast %mul3A_359 : f32 to vector<1x928xf32>
      %mul3A_361 = arith.mulf %mul3A_360, %sub3A_84 : vector<1x928xf32>
      %add3A_362 = arith.constant -7.812500e-03 : f32
      %add3A_363 = vector.broadcast %add3A_362 : f32 to vector<1x928xf32>
      %add3A_364 = arith.addf %add3A_363, %mul3A_361 : vector<1x928xf32>
      %le3A_365 = vector.broadcast %add3A_364 : vector<1x928xf32> to vector<1024x928xf32>
      %le3A_366 = arith.cmpf ole, %mul3A_61, %le3A_365 : vector<1024x928xf32>
      %jit3A_367 = arith.constant 1.000000e+00 : f32
      %jit3A_368 = arith.constant 0.000000e+00 : f32
      %broadcast_in_dim3A_369 = vector.broadcast %jit3A_367 : f32 to vector<1024x928xf32>
      %broadcast_in_dim3A_370 = vector.broadcast %jit3A_368 : f32 to vector<1024x928xf32>
      %select_n3A_371 = arith.select %le3A_366, %broadcast_in_dim3A_369, %broadcast_in_dim3A_370 : vector<1024x928xi1>, vector<1024x928xf32>
      %convert_element_type3A_372 = arith.truncf %select_n3A_371 : vector<1024x928xf32> to vector<1024x928xbf16>
      %dot_general3A_373 = arith.constant dense<0.000000e+00> : vector<48x928xf32>
      %dot_general3A_374 = tpu.matmul %convert_element_type3A_85, %convert_element_type3A_372, %dot_general3A_373 {dimension_numbers = #tpu.dot_dimension_numbers<[1], [0], [0], [1], [0, 0, 1, 1], [], []>, transpose_lhs_hint = false} : vector<48x1024xbf16>, vector<1024x928xbf16>, vector<48x928xf32> -> vector<48x928xf32>
      %eq3A_375 = arith.constant 1 : i32
      %eq3A_376 = vector.broadcast %eq3A_375 : i32 to vector<48x928xi32>
      %eq3A_377 = arith.cmpi eq, %add3A_246, %eq3A_376 : vector<48x928xi32>
      %select_n3A_378 = arith.select %eq3A_377, %dot_general3A_278, %dot_general3A_262 : vector<48x928xi1>, vector<48x928xf32>
      %eq3A_379 = arith.constant 2 : i32
      %eq3A_380 = vector.broadcast %eq3A_379 : i32 to vector<48x928xi32>
      %eq3A_381 = arith.cmpi eq, %add3A_246, %eq3A_380 : vector<48x928xi32>
      %select_n3A_382 = arith.select %eq3A_381, %dot_general3A_294, %select_n3A_378 : vector<48x928xi1>, vector<48x928xf32>
      %eq3A_383 = arith.constant 3 : i32
      %eq3A_384 = vector.broadcast %eq3A_383 : i32 to vector<48x928xi32>
      %eq3A_385 = arith.cmpi eq, %add3A_246, %eq3A_384 : vector<48x928xi32>
      %select_n3A_386 = arith.select %eq3A_385, %dot_general3A_310, %select_n3A_382 : vector<48x928xi1>, vector<48x928xf32>
      %eq3A_387 = arith.constant 4 : i32
      %eq3A_388 = vector.broadcast %eq3A_387 : i32 to vector<48x928xi32>
      %eq3A_389 = arith.cmpi eq, %add3A_246, %eq3A_388 : vector<48x928xi32>
      %select_n3A_390 = arith.select %eq3A_389, %dot_general3A_326, %select_n3A_386 : vector<48x928xi1>, vector<48x928xf32>
      %eq3A_391 = arith.constant 5 : i32
      %eq3A_392 = vector.broadcast %eq3A_391 : i32 to vector<48x928xi32>
      %eq3A_393 = arith.cmpi eq, %add3A_246, %eq3A_392 : vector<48x928xi32>
      %select_n3A_394 = arith.select %eq3A_393, %dot_general3A_342, %select_n3A_390 : vector<48x928xi1>, vector<48x928xf32>
      %eq3A_395 = arith.constant 6 : i32
      %eq3A_396 = vector.broadcast %eq3A_395 : i32 to vector<48x928xi32>
      %eq3A_397 = arith.cmpi eq, %add3A_246, %eq3A_396 : vector<48x928xi32>
      %select_n3A_398 = arith.select %eq3A_397, %dot_general3A_358, %select_n3A_394 : vector<48x928xi1>, vector<48x928xf32>
      %eq3A_399 = arith.constant 7 : i32
      %eq3A_400 = vector.broadcast %eq3A_399 : i32 to vector<48x928xi32>
      %eq3A_401 = arith.cmpi eq, %add3A_246, %eq3A_400 : vector<48x928xi32>
      %select_n3A_402 = arith.select %eq3A_401, %dot_general3A_374, %select_n3A_398 : vector<48x928xi1>, vector<48x928xf32>
      %ge3A_403 = vector.broadcast %mul3A_78 : vector<48x1xf32> to vector<48x928xf32>
      %ge3A_404 = arith.cmpf oge, %select_n3A_402, %ge3A_403 : vector<48x928xf32>
      %mul3A_405 = arith.constant 2 : i32
      %mul3A_406 = vector.broadcast %mul3A_405 : i32 to vector<48x928xi32>
      %mul3A_407 = arith.muli %mul3A_406, %add3A_246 : vector<48x928xi32>
      %jit3A_408 = arith.constant 0 : i32
      %jit3A_409 = arith.constant 1 : i32
      %broadcast_in_dim3A_410 = vector.broadcast %jit3A_408 : i32 to vector<48x928xi32>
      %broadcast_in_dim3A_411 = vector.broadcast %jit3A_409 : i32 to vector<48x928xi32>
      %select_n3A_412 = arith.select %ge3A_404, %broadcast_in_dim3A_410, %broadcast_in_dim3A_411 : vector<48x928xi1>, vector<48x928xi32>
      %add3A_413 = arith.addi %mul3A_407, %select_n3A_412 : vector<48x928xi32>
      %mul3A_414 = arith.constant 3.125000e-02 : f32
      %mul3A_415 = vector.broadcast %mul3A_414 : f32 to vector<1x928xf32>
      %mul3A_416 = arith.mulf %mul3A_415, %sub3A_84 : vector<1x928xf32>
      %add3A_417 = arith.constant -7.812500e-03 : f32
      %add3A_418 = vector.broadcast %add3A_417 : f32 to vector<1x928xf32>
      %add3A_419 = arith.addf %add3A_418, %mul3A_416 : vector<1x928xf32>
      %le3A_420 = vector.broadcast %add3A_419 : vector<1x928xf32> to vector<1024x928xf32>
      %le3A_421 = arith.cmpf ole, %mul3A_61, %le3A_420 : vector<1024x928xf32>
      %jit3A_422 = arith.constant 1.000000e+00 : f32
      %jit3A_423 = arith.constant 0.000000e+00 : f32
      %broadcast_in_dim3A_424 = vector.broadcast %jit3A_422 : f32 to vector<1024x928xf32>
      %broadcast_in_dim3A_425 = vector.broadcast %jit3A_423 : f32 to vector<1024x928xf32>
      %select_n3A_426 = arith.select %le3A_421, %broadcast_in_dim3A_424, %broadcast_in_dim3A_425 : vector<1024x928xi1>, vector<1024x928xf32>
      %convert_element_type3A_427 = arith.truncf %select_n3A_426 : vector<1024x928xf32> to vector<1024x928xbf16>
      %dot_general3A_428 = arith.constant dense<0.000000e+00> : vector<48x928xf32>
      %dot_general3A_429 = tpu.matmul %convert_element_type3A_85, %convert_element_type3A_427, %dot_general3A_428 {dimension_numbers = #tpu.dot_dimension_numbers<[1], [0], [0], [1], [0, 0, 1, 1], [], []>, transpose_lhs_hint = false} : vector<48x1024xbf16>, vector<1024x928xbf16>, vector<48x928xf32> -> vector<48x928xf32>
      %mul3A_430 = arith.constant 9.375000e-02 : f32
      %mul3A_431 = vector.broadcast %mul3A_430 : f32 to vector<1x928xf32>
      %mul3A_432 = arith.mulf %mul3A_431, %sub3A_84 : vector<1x928xf32>
      %add3A_433 = arith.constant -7.812500e-03 : f32
      %add3A_434 = vector.broadcast %add3A_433 : f32 to vector<1x928xf32>
      %add3A_435 = arith.addf %add3A_434, %mul3A_432 : vector<1x928xf32>
      %le3A_436 = vector.broadcast %add3A_435 : vector<1x928xf32> to vector<1024x928xf32>
      %le3A_437 = arith.cmpf ole, %mul3A_61, %le3A_436 : vector<1024x928xf32>
      %jit3A_438 = arith.constant 1.000000e+00 : f32
      %jit3A_439 = arith.constant 0.000000e+00 : f32
      %broadcast_in_dim3A_440 = vector.broadcast %jit3A_438 : f32 to vector<1024x928xf32>
      %broadcast_in_dim3A_441 = vector.broadcast %jit3A_439 : f32 to vector<1024x928xf32>
      %select_n3A_442 = arith.select %le3A_437, %broadcast_in_dim3A_440, %broadcast_in_dim3A_441 : vector<1024x928xi1>, vector<1024x928xf32>
      %convert_element_type3A_443 = arith.truncf %select_n3A_442 : vector<1024x928xf32> to vector<1024x928xbf16>
      %dot_general3A_444 = arith.constant dense<0.000000e+00> : vector<48x928xf32>
      %dot_general3A_445 = tpu.matmul %convert_element_type3A_85, %convert_element_type3A_443, %dot_general3A_444 {dimension_numbers = #tpu.dot_dimension_numbers<[1], [0], [0], [1], [0, 0, 1, 1], [], []>, transpose_lhs_hint = false} : vector<48x1024xbf16>, vector<1024x928xbf16>, vector<48x928xf32> -> vector<48x928xf32>
      %mul3A_446 = arith.constant 1.562500e-01 : f32
      %mul3A_447 = vector.broadcast %mul3A_446 : f32 to vector<1x928xf32>
      %mul3A_448 = arith.mulf %mul3A_447, %sub3A_84 : vector<1x928xf32>
      %add3A_449 = arith.constant -7.812500e-03 : f32
      %add3A_450 = vector.broadcast %add3A_449 : f32 to vector<1x928xf32>
      %add3A_451 = arith.addf %add3A_450, %mul3A_448 : vector<1x928xf32>
      %le3A_452 = vector.broadcast %add3A_451 : vector<1x928xf32> to vector<1024x928xf32>
      %le3A_453 = arith.cmpf ole, %mul3A_61, %le3A_452 : vector<1024x928xf32>
      %jit3A_454 = arith.constant 1.000000e+00 : f32
      %jit3A_455 = arith.constant 0.000000e+00 : f32
      %broadcast_in_dim3A_456 = vector.broadcast %jit3A_454 : f32 to vector<1024x928xf32>
      %broadcast_in_dim3A_457 = vector.broadcast %jit3A_455 : f32 to vector<1024x928xf32>
      %select_n3A_458 = arith.select %le3A_453, %broadcast_in_dim3A_456, %broadcast_in_dim3A_457 : vector<1024x928xi1>, vector<1024x928xf32>
      %convert_element_type3A_459 = arith.truncf %select_n3A_458 : vector<1024x928xf32> to vector<1024x928xbf16>
      %dot_general3A_460 = arith.constant dense<0.000000e+00> : vector<48x928xf32>
      %dot_general3A_461 = tpu.matmul %convert_element_type3A_85, %convert_element_type3A_459, %dot_general3A_460 {dimension_numbers = #tpu.dot_dimension_numbers<[1], [0], [0], [1], [0, 0, 1, 1], [], []>, transpose_lhs_hint = false} : vector<48x1024xbf16>, vector<1024x928xbf16>, vector<48x928xf32> -> vector<48x928xf32>
      %mul3A_462 = arith.constant 2.187500e-01 : f32
      %mul3A_463 = vector.broadcast %mul3A_462 : f32 to vector<1x928xf32>
      %mul3A_464 = arith.mulf %mul3A_463, %sub3A_84 : vector<1x928xf32>
      %add3A_465 = arith.constant -7.812500e-03 : f32
      %add3A_466 = vector.broadcast %add3A_465 : f32 to vector<1x928xf32>
      %add3A_467 = arith.addf %add3A_466, %mul3A_464 : vector<1x928xf32>
      %le3A_468 = vector.broadcast %add3A_467 : vector<1x928xf32> to vector<1024x928xf32>
      %le3A_469 = arith.cmpf ole, %mul3A_61, %le3A_468 : vector<1024x928xf32>
      %jit3A_470 = arith.constant 1.000000e+00 : f32
      %jit3A_471 = arith.constant 0.000000e+00 : f32
      %broadcast_in_dim3A_472 = vector.broadcast %jit3A_470 : f32 to vector<1024x928xf32>
      %broadcast_in_dim3A_473 = vector.broadcast %jit3A_471 : f32 to vector<1024x928xf32>
      %select_n3A_474 = arith.select %le3A_469, %broadcast_in_dim3A_472, %broadcast_in_dim3A_473 : vector<1024x928xi1>, vector<1024x928xf32>
      %convert_element_type3A_475 = arith.truncf %select_n3A_474 : vector<1024x928xf32> to vector<1024x928xbf16>
      %dot_general3A_476 = arith.constant dense<0.000000e+00> : vector<48x928xf32>
      %dot_general3A_477 = tpu.matmul %convert_element_type3A_85, %convert_element_type3A_475, %dot_general3A_476 {dimension_numbers = #tpu.dot_dimension_numbers<[1], [0], [0], [1], [0, 0, 1, 1], [], []>, transpose_lhs_hint = false} : vector<48x1024xbf16>, vector<1024x928xbf16>, vector<48x928xf32> -> vector<48x928xf32>
      %mul3A_478 = arith.constant 2.812500e-01 : f32
      %mul3A_479 = vector.broadcast %mul3A_478 : f32 to vector<1x928xf32>
      %mul3A_480 = arith.mulf %mul3A_479, %sub3A_84 : vector<1x928xf32>
      %add3A_481 = arith.constant -7.812500e-03 : f32
      %add3A_482 = vector.broadcast %add3A_481 : f32 to vector<1x928xf32>
      %add3A_483 = arith.addf %add3A_482, %mul3A_480 : vector<1x928xf32>
      %le3A_484 = vector.broadcast %add3A_483 : vector<1x928xf32> to vector<1024x928xf32>
      %le3A_485 = arith.cmpf ole, %mul3A_61, %le3A_484 : vector<1024x928xf32>
      %jit3A_486 = arith.constant 1.000000e+00 : f32
      %jit3A_487 = arith.constant 0.000000e+00 : f32
      %broadcast_in_dim3A_488 = vector.broadcast %jit3A_486 : f32 to vector<1024x928xf32>
      %broadcast_in_dim3A_489 = vector.broadcast %jit3A_487 : f32 to vector<1024x928xf32>
      %select_n3A_490 = arith.select %le3A_485, %broadcast_in_dim3A_488, %broadcast_in_dim3A_489 : vector<1024x928xi1>, vector<1024x928xf32>
      %convert_element_type3A_491 = arith.truncf %select_n3A_490 : vector<1024x928xf32> to vector<1024x928xbf16>
      %dot_general3A_492 = arith.constant dense<0.000000e+00> : vector<48x928xf32>
      %dot_general3A_493 = tpu.matmul %convert_element_type3A_85, %convert_element_type3A_491, %dot_general3A_492 {dimension_numbers = #tpu.dot_dimension_numbers<[1], [0], [0], [1], [0, 0, 1, 1], [], []>, transpose_lhs_hint = false} : vector<48x1024xbf16>, vector<1024x928xbf16>, vector<48x928xf32> -> vector<48x928xf32>
      %mul3A_494 = arith.constant 3.437500e-01 : f32
      %mul3A_495 = vector.broadcast %mul3A_494 : f32 to vector<1x928xf32>
      %mul3A_496 = arith.mulf %mul3A_495, %sub3A_84 : vector<1x928xf32>
      %add3A_497 = arith.constant -7.812500e-03 : f32
      %add3A_498 = vector.broadcast %add3A_497 : f32 to vector<1x928xf32>
      %add3A_499 = arith.addf %add3A_498, %mul3A_496 : vector<1x928xf32>
      %le3A_500 = vector.broadcast %add3A_499 : vector<1x928xf32> to vector<1024x928xf32>
      %le3A_501 = arith.cmpf ole, %mul3A_61, %le3A_500 : vector<1024x928xf32>
      %jit3A_502 = arith.constant 1.000000e+00 : f32
      %jit3A_503 = arith.constant 0.000000e+00 : f32
      %broadcast_in_dim3A_504 = vector.broadcast %jit3A_502 : f32 to vector<1024x928xf32>
      %broadcast_in_dim3A_505 = vector.broadcast %jit3A_503 : f32 to vector<1024x928xf32>
      %select_n3A_506 = arith.select %le3A_501, %broadcast_in_dim3A_504, %broadcast_in_dim3A_505 : vector<1024x928xi1>, vector<1024x928xf32>
      %convert_element_type3A_507 = arith.truncf %select_n3A_506 : vector<1024x928xf32> to vector<1024x928xbf16>
      %dot_general3A_508 = arith.constant dense<0.000000e+00> : vector<48x928xf32>
      %dot_general3A_509 = tpu.matmul %convert_element_type3A_85, %convert_element_type3A_507, %dot_general3A_508 {dimension_numbers = #tpu.dot_dimension_numbers<[1], [0], [0], [1], [0, 0, 1, 1], [], []>, transpose_lhs_hint = false} : vector<48x1024xbf16>, vector<1024x928xbf16>, vector<48x928xf32> -> vector<48x928xf32>
      %mul3A_510 = arith.constant 4.062500e-01 : f32
      %mul3A_511 = vector.broadcast %mul3A_510 : f32 to vector<1x928xf32>
      %mul3A_512 = arith.mulf %mul3A_511, %sub3A_84 : vector<1x928xf32>
      %add3A_513 = arith.constant -7.812500e-03 : f32
      %add3A_514 = vector.broadcast %add3A_513 : f32 to vector<1x928xf32>
      %add3A_515 = arith.addf %add3A_514, %mul3A_512 : vector<1x928xf32>
      %le3A_516 = vector.broadcast %add3A_515 : vector<1x928xf32> to vector<1024x928xf32>
      %le3A_517 = arith.cmpf ole, %mul3A_61, %le3A_516 : vector<1024x928xf32>
      %jit3A_518 = arith.constant 1.000000e+00 : f32
      %jit3A_519 = arith.constant 0.000000e+00 : f32
      %broadcast_in_dim3A_520 = vector.broadcast %jit3A_518 : f32 to vector<1024x928xf32>
      %broadcast_in_dim3A_521 = vector.broadcast %jit3A_519 : f32 to vector<1024x928xf32>
      %select_n3A_522 = arith.select %le3A_517, %broadcast_in_dim3A_520, %broadcast_in_dim3A_521 : vector<1024x928xi1>, vector<1024x928xf32>
      %convert_element_type3A_523 = arith.truncf %select_n3A_522 : vector<1024x928xf32> to vector<1024x928xbf16>
      %dot_general3A_524 = arith.constant dense<0.000000e+00> : vector<48x928xf32>
      %dot_general3A_525 = tpu.matmul %convert_element_type3A_85, %convert_element_type3A_523, %dot_general3A_524 {dimension_numbers = #tpu.dot_dimension_numbers<[1], [0], [0], [1], [0, 0, 1, 1], [], []>, transpose_lhs_hint = false} : vector<48x1024xbf16>, vector<1024x928xbf16>, vector<48x928xf32> -> vector<48x928xf32>
      %mul3A_526 = arith.constant 4.687500e-01 : f32
      %mul3A_527 = vector.broadcast %mul3A_526 : f32 to vector<1x928xf32>
      %mul3A_528 = arith.mulf %mul3A_527, %sub3A_84 : vector<1x928xf32>
      %add3A_529 = arith.constant -7.812500e-03 : f32
      %add3A_530 = vector.broadcast %add3A_529 : f32 to vector<1x928xf32>
      %add3A_531 = arith.addf %add3A_530, %mul3A_528 : vector<1x928xf32>
      %le3A_532 = vector.broadcast %add3A_531 : vector<1x928xf32> to vector<1024x928xf32>
      %le3A_533 = arith.cmpf ole, %mul3A_61, %le3A_532 : vector<1024x928xf32>
      %jit3A_534 = arith.constant 1.000000e+00 : f32
      %jit3A_535 = arith.constant 0.000000e+00 : f32
      %broadcast_in_dim3A_536 = vector.broadcast %jit3A_534 : f32 to vector<1024x928xf32>
      %broadcast_in_dim3A_537 = vector.broadcast %jit3A_535 : f32 to vector<1024x928xf32>
      %select_n3A_538 = arith.select %le3A_533, %broadcast_in_dim3A_536, %broadcast_in_dim3A_537 : vector<1024x928xi1>, vector<1024x928xf32>
      %convert_element_type3A_539 = arith.truncf %select_n3A_538 : vector<1024x928xf32> to vector<1024x928xbf16>
      %dot_general3A_540 = arith.constant dense<0.000000e+00> : vector<48x928xf32>
      %dot_general3A_541 = tpu.matmul %convert_element_type3A_85, %convert_element_type3A_539, %dot_general3A_540 {dimension_numbers = #tpu.dot_dimension_numbers<[1], [0], [0], [1], [0, 0, 1, 1], [], []>, transpose_lhs_hint = false} : vector<48x1024xbf16>, vector<1024x928xbf16>, vector<48x928xf32> -> vector<48x928xf32>
      %mul3A_542 = arith.constant 5.312500e-01 : f32
      %mul3A_543 = vector.broadcast %mul3A_542 : f32 to vector<1x928xf32>
      %mul3A_544 = arith.mulf %mul3A_543, %sub3A_84 : vector<1x928xf32>
      %add3A_545 = arith.constant -7.812500e-03 : f32
      %add3A_546 = vector.broadcast %add3A_545 : f32 to vector<1x928xf32>
      %add3A_547 = arith.addf %add3A_546, %mul3A_544 : vector<1x928xf32>
      %le3A_548 = vector.broadcast %add3A_547 : vector<1x928xf32> to vector<1024x928xf32>
      %le3A_549 = arith.cmpf ole, %mul3A_61, %le3A_548 : vector<1024x928xf32>
      %jit3A_550 = arith.constant 1.000000e+00 : f32
      %jit3A_551 = arith.constant 0.000000e+00 : f32
      %broadcast_in_dim3A_552 = vector.broadcast %jit3A_550 : f32 to vector<1024x928xf32>
      %broadcast_in_dim3A_553 = vector.broadcast %jit3A_551 : f32 to vector<1024x928xf32>
      %select_n3A_554 = arith.select %le3A_549, %broadcast_in_dim3A_552, %broadcast_in_dim3A_553 : vector<1024x928xi1>, vector<1024x928xf32>
      %convert_element_type3A_555 = arith.truncf %select_n3A_554 : vector<1024x928xf32> to vector<1024x928xbf16>
      %dot_general3A_556 = arith.constant dense<0.000000e+00> : vector<48x928xf32>
      %dot_general3A_557 = tpu.matmul %convert_element_type3A_85, %convert_element_type3A_555, %dot_general3A_556 {dimension_numbers = #tpu.dot_dimension_numbers<[1], [0], [0], [1], [0, 0, 1, 1], [], []>, transpose_lhs_hint = false} : vector<48x1024xbf16>, vector<1024x928xbf16>, vector<48x928xf32> -> vector<48x928xf32>
      %mul3A_558 = arith.constant 5.937500e-01 : f32
      %mul3A_559 = vector.broadcast %mul3A_558 : f32 to vector<1x928xf32>
      %mul3A_560 = arith.mulf %mul3A_559, %sub3A_84 : vector<1x928xf32>
      %add3A_561 = arith.constant -7.812500e-03 : f32
      %add3A_562 = vector.broadcast %add3A_561 : f32 to vector<1x928xf32>
      %add3A_563 = arith.addf %add3A_562, %mul3A_560 : vector<1x928xf32>
      %le3A_564 = vector.broadcast %add3A_563 : vector<1x928xf32> to vector<1024x928xf32>
      %le3A_565 = arith.cmpf ole, %mul3A_61, %le3A_564 : vector<1024x928xf32>
      %jit3A_566 = arith.constant 1.000000e+00 : f32
      %jit3A_567 = arith.constant 0.000000e+00 : f32
      %broadcast_in_dim3A_568 = vector.broadcast %jit3A_566 : f32 to vector<1024x928xf32>
      %broadcast_in_dim3A_569 = vector.broadcast %jit3A_567 : f32 to vector<1024x928xf32>
      %select_n3A_570 = arith.select %le3A_565, %broadcast_in_dim3A_568, %broadcast_in_dim3A_569 : vector<1024x928xi1>, vector<1024x928xf32>
      %convert_element_type3A_571 = arith.truncf %select_n3A_570 : vector<1024x928xf32> to vector<1024x928xbf16>
      %dot_general3A_572 = arith.constant dense<0.000000e+00> : vector<48x928xf32>
      %dot_general3A_573 = tpu.matmul %convert_element_type3A_85, %convert_element_type3A_571, %dot_general3A_572 {dimension_numbers = #tpu.dot_dimension_numbers<[1], [0], [0], [1], [0, 0, 1, 1], [], []>, transpose_lhs_hint = false} : vector<48x1024xbf16>, vector<1024x928xbf16>, vector<48x928xf32> -> vector<48x928xf32>
      %mul3A_574 = arith.constant 6.562500e-01 : f32
      %mul3A_575 = vector.broadcast %mul3A_574 : f32 to vector<1x928xf32>
      %mul3A_576 = arith.mulf %mul3A_575, %sub3A_84 : vector<1x928xf32>
      %add3A_577 = arith.constant -7.812500e-03 : f32
      %add3A_578 = vector.broadcast %add3A_577 : f32 to vector<1x928xf32>
      %add3A_579 = arith.addf %add3A_578, %mul3A_576 : vector<1x928xf32>
      %le3A_580 = vector.broadcast %add3A_579 : vector<1x928xf32> to vector<1024x928xf32>
      %le3A_581 = arith.cmpf ole, %mul3A_61, %le3A_580 : vector<1024x928xf32>
      %jit3A_582 = arith.constant 1.000000e+00 : f32
      %jit3A_583 = arith.constant 0.000000e+00 : f32
      %broadcast_in_dim3A_584 = vector.broadcast %jit3A_582 : f32 to vector<1024x928xf32>
      %broadcast_in_dim3A_585 = vector.broadcast %jit3A_583 : f32 to vector<1024x928xf32>
      %select_n3A_586 = arith.select %le3A_581, %broadcast_in_dim3A_584, %broadcast_in_dim3A_585 : vector<1024x928xi1>, vector<1024x928xf32>
      %convert_element_type3A_587 = arith.truncf %select_n3A_586 : vector<1024x928xf32> to vector<1024x928xbf16>
      %dot_general3A_588 = arith.constant dense<0.000000e+00> : vector<48x928xf32>
      %dot_general3A_589 = tpu.matmul %convert_element_type3A_85, %convert_element_type3A_587, %dot_general3A_588 {dimension_numbers = #tpu.dot_dimension_numbers<[1], [0], [0], [1], [0, 0, 1, 1], [], []>, transpose_lhs_hint = false} : vector<48x1024xbf16>, vector<1024x928xbf16>, vector<48x928xf32> -> vector<48x928xf32>
      %mul3A_590 = arith.constant 7.187500e-01 : f32
      %mul3A_591 = vector.broadcast %mul3A_590 : f32 to vector<1x928xf32>
      %mul3A_592 = arith.mulf %mul3A_591, %sub3A_84 : vector<1x928xf32>
      %add3A_593 = arith.constant -7.812500e-03 : f32
      %add3A_594 = vector.broadcast %add3A_593 : f32 to vector<1x928xf32>
      %add3A_595 = arith.addf %add3A_594, %mul3A_592 : vector<1x928xf32>
      %le3A_596 = vector.broadcast %add3A_595 : vector<1x928xf32> to vector<1024x928xf32>
      %le3A_597 = arith.cmpf ole, %mul3A_61, %le3A_596 : vector<1024x928xf32>
      %jit3A_598 = arith.constant 1.000000e+00 : f32
      %jit3A_599 = arith.constant 0.000000e+00 : f32
      %broadcast_in_dim3A_600 = vector.broadcast %jit3A_598 : f32 to vector<1024x928xf32>
      %broadcast_in_dim3A_601 = vector.broadcast %jit3A_599 : f32 to vector<1024x928xf32>
      %select_n3A_602 = arith.select %le3A_597, %broadcast_in_dim3A_600, %broadcast_in_dim3A_601 : vector<1024x928xi1>, vector<1024x928xf32>
      %convert_element_type3A_603 = arith.truncf %select_n3A_602 : vector<1024x928xf32> to vector<1024x928xbf16>
      %dot_general3A_604 = arith.constant dense<0.000000e+00> : vector<48x928xf32>
      %dot_general3A_605 = tpu.matmul %convert_element_type3A_85, %convert_element_type3A_603, %dot_general3A_604 {dimension_numbers = #tpu.dot_dimension_numbers<[1], [0], [0], [1], [0, 0, 1, 1], [], []>, transpose_lhs_hint = false} : vector<48x1024xbf16>, vector<1024x928xbf16>, vector<48x928xf32> -> vector<48x928xf32>
      %mul3A_606 = arith.constant 7.812500e-01 : f32
      %mul3A_607 = vector.broadcast %mul3A_606 : f32 to vector<1x928xf32>
      %mul3A_608 = arith.mulf %mul3A_607, %sub3A_84 : vector<1x928xf32>
      %add3A_609 = arith.constant -7.812500e-03 : f32
      %add3A_610 = vector.broadcast %add3A_609 : f32 to vector<1x928xf32>
      %add3A_611 = arith.addf %add3A_610, %mul3A_608 : vector<1x928xf32>
      %le3A_612 = vector.broadcast %add3A_611 : vector<1x928xf32> to vector<1024x928xf32>
      %le3A_613 = arith.cmpf ole, %mul3A_61, %le3A_612 : vector<1024x928xf32>
      %jit3A_614 = arith.constant 1.000000e+00 : f32
      %jit3A_615 = arith.constant 0.000000e+00 : f32
      %broadcast_in_dim3A_616 = vector.broadcast %jit3A_614 : f32 to vector<1024x928xf32>
      %broadcast_in_dim3A_617 = vector.broadcast %jit3A_615 : f32 to vector<1024x928xf32>
      %select_n3A_618 = arith.select %le3A_613, %broadcast_in_dim3A_616, %broadcast_in_dim3A_617 : vector<1024x928xi1>, vector<1024x928xf32>
      %convert_element_type3A_619 = arith.truncf %select_n3A_618 : vector<1024x928xf32> to vector<1024x928xbf16>
      %dot_general3A_620 = arith.constant dense<0.000000e+00> : vector<48x928xf32>
      %dot_general3A_621 = tpu.matmul %convert_element_type3A_85, %convert_element_type3A_619, %dot_general3A_620 {dimension_numbers = #tpu.dot_dimension_numbers<[1], [0], [0], [1], [0, 0, 1, 1], [], []>, transpose_lhs_hint = false} : vector<48x1024xbf16>, vector<1024x928xbf16>, vector<48x928xf32> -> vector<48x928xf32>
      %mul3A_622 = arith.constant 8.437500e-01 : f32
      %mul3A_623 = vector.broadcast %mul3A_622 : f32 to vector<1x928xf32>
      %mul3A_624 = arith.mulf %mul3A_623, %sub3A_84 : vector<1x928xf32>
      %add3A_625 = arith.constant -7.812500e-03 : f32
      %add3A_626 = vector.broadcast %add3A_625 : f32 to vector<1x928xf32>
      %add3A_627 = arith.addf %add3A_626, %mul3A_624 : vector<1x928xf32>
      %le3A_628 = vector.broadcast %add3A_627 : vector<1x928xf32> to vector<1024x928xf32>
      %le3A_629 = arith.cmpf ole, %mul3A_61, %le3A_628 : vector<1024x928xf32>
      %jit3A_630 = arith.constant 1.000000e+00 : f32
      %jit3A_631 = arith.constant 0.000000e+00 : f32
      %broadcast_in_dim3A_632 = vector.broadcast %jit3A_630 : f32 to vector<1024x928xf32>
      %broadcast_in_dim3A_633 = vector.broadcast %jit3A_631 : f32 to vector<1024x928xf32>
      %select_n3A_634 = arith.select %le3A_629, %broadcast_in_dim3A_632, %broadcast_in_dim3A_633 : vector<1024x928xi1>, vector<1024x928xf32>
      %convert_element_type3A_635 = arith.truncf %select_n3A_634 : vector<1024x928xf32> to vector<1024x928xbf16>
      %dot_general3A_636 = arith.constant dense<0.000000e+00> : vector<48x928xf32>
      %dot_general3A_637 = tpu.matmul %convert_element_type3A_85, %convert_element_type3A_635, %dot_general3A_636 {dimension_numbers = #tpu.dot_dimension_numbers<[1], [0], [0], [1], [0, 0, 1, 1], [], []>, transpose_lhs_hint = false} : vector<48x1024xbf16>, vector<1024x928xbf16>, vector<48x928xf32> -> vector<48x928xf32>
      %mul3A_638 = arith.constant 9.062500e-01 : f32
      %mul3A_639 = vector.broadcast %mul3A_638 : f32 to vector<1x928xf32>
      %mul3A_640 = arith.mulf %mul3A_639, %sub3A_84 : vector<1x928xf32>
      %add3A_641 = arith.constant -7.812500e-03 : f32
      %add3A_642 = vector.broadcast %add3A_641 : f32 to vector<1x928xf32>
      %add3A_643 = arith.addf %add3A_642, %mul3A_640 : vector<1x928xf32>
      %le3A_644 = vector.broadcast %add3A_643 : vector<1x928xf32> to vector<1024x928xf32>
      %le3A_645 = arith.cmpf ole, %mul3A_61, %le3A_644 : vector<1024x928xf32>
      %jit3A_646 = arith.constant 1.000000e+00 : f32
      %jit3A_647 = arith.constant 0.000000e+00 : f32
      %broadcast_in_dim3A_648 = vector.broadcast %jit3A_646 : f32 to vector<1024x928xf32>
      %broadcast_in_dim3A_649 = vector.broadcast %jit3A_647 : f32 to vector<1024x928xf32>
      %select_n3A_650 = arith.select %le3A_645, %broadcast_in_dim3A_648, %broadcast_in_dim3A_649 : vector<1024x928xi1>, vector<1024x928xf32>
      %convert_element_type3A_651 = arith.truncf %select_n3A_650 : vector<1024x928xf32> to vector<1024x928xbf16>
      %dot_general3A_652 = arith.constant dense<0.000000e+00> : vector<48x928xf32>
      %dot_general3A_653 = tpu.matmul %convert_element_type3A_85, %convert_element_type3A_651, %dot_general3A_652 {dimension_numbers = #tpu.dot_dimension_numbers<[1], [0], [0], [1], [0, 0, 1, 1], [], []>, transpose_lhs_hint = false} : vector<48x1024xbf16>, vector<1024x928xbf16>, vector<48x928xf32> -> vector<48x928xf32>
      %mul3A_654 = arith.constant 9.687500e-01 : f32
      %mul3A_655 = vector.broadcast %mul3A_654 : f32 to vector<1x928xf32>
      %mul3A_656 = arith.mulf %mul3A_655, %sub3A_84 : vector<1x928xf32>
      %add3A_657 = arith.constant -7.812500e-03 : f32
      %add3A_658 = vector.broadcast %add3A_657 : f32 to vector<1x928xf32>
      %add3A_659 = arith.addf %add3A_658, %mul3A_656 : vector<1x928xf32>
      %le3A_660 = vector.broadcast %add3A_659 : vector<1x928xf32> to vector<1024x928xf32>
      %le3A_661 = arith.cmpf ole, %mul3A_61, %le3A_660 : vector<1024x928xf32>
      %jit3A_662 = arith.constant 1.000000e+00 : f32
      %jit3A_663 = arith.constant 0.000000e+00 : f32
      %broadcast_in_dim3A_664 = vector.broadcast %jit3A_662 : f32 to vector<1024x928xf32>
      %broadcast_in_dim3A_665 = vector.broadcast %jit3A_663 : f32 to vector<1024x928xf32>
      %select_n3A_666 = arith.select %le3A_661, %broadcast_in_dim3A_664, %broadcast_in_dim3A_665 : vector<1024x928xi1>, vector<1024x928xf32>
      %convert_element_type3A_667 = arith.truncf %select_n3A_666 : vector<1024x928xf32> to vector<1024x928xbf16>
      %dot_general3A_668 = arith.constant dense<0.000000e+00> : vector<48x928xf32>
      %dot_general3A_669 = tpu.matmul %convert_element_type3A_85, %convert_element_type3A_667, %dot_general3A_668 {dimension_numbers = #tpu.dot_dimension_numbers<[1], [0], [0], [1], [0, 0, 1, 1], [], []>, transpose_lhs_hint = false} : vector<48x1024xbf16>, vector<1024x928xbf16>, vector<48x928xf32> -> vector<48x928xf32>
      %eq3A_670 = arith.constant 1 : i32
      %eq3A_671 = vector.broadcast %eq3A_670 : i32 to vector<48x928xi32>
      %eq3A_672 = arith.cmpi eq, %add3A_413, %eq3A_671 : vector<48x928xi32>
      %select_n3A_673 = arith.select %eq3A_672, %dot_general3A_445, %dot_general3A_429 : vector<48x928xi1>, vector<48x928xf32>
      %eq3A_674 = arith.constant 2 : i32
      %eq3A_675 = vector.broadcast %eq3A_674 : i32 to vector<48x928xi32>
      %eq3A_676 = arith.cmpi eq, %add3A_413, %eq3A_675 : vector<48x928xi32>
      %select_n3A_677 = arith.select %eq3A_676, %dot_general3A_461, %select_n3A_673 : vector<48x928xi1>, vector<48x928xf32>
      %eq3A_678 = arith.constant 3 : i32
      %eq3A_679 = vector.broadcast %eq3A_678 : i32 to vector<48x928xi32>
      %eq3A_680 = arith.cmpi eq, %add3A_413, %eq3A_679 : vector<48x928xi32>
      %select_n3A_681 = arith.select %eq3A_680, %dot_general3A_477, %select_n3A_677 : vector<48x928xi1>, vector<48x928xf32>
      %eq3A_682 = arith.constant 4 : i32
      %eq3A_683 = vector.broadcast %eq3A_682 : i32 to vector<48x928xi32>
      %eq3A_684 = arith.cmpi eq, %add3A_413, %eq3A_683 : vector<48x928xi32>
      %select_n3A_685 = arith.select %eq3A_684, %dot_general3A_493, %select_n3A_681 : vector<48x928xi1>, vector<48x928xf32>
      %eq3A_686 = arith.constant 5 : i32
      %eq3A_687 = vector.broadcast %eq3A_686 : i32 to vector<48x928xi32>
      %eq3A_688 = arith.cmpi eq, %add3A_413, %eq3A_687 : vector<48x928xi32>
      %select_n3A_689 = arith.select %eq3A_688, %dot_general3A_509, %select_n3A_685 : vector<48x928xi1>, vector<48x928xf32>
      %eq3A_690 = arith.constant 6 : i32
      %eq3A_691 = vector.broadcast %eq3A_690 : i32 to vector<48x928xi32>
      %eq3A_692 = arith.cmpi eq, %add3A_413, %eq3A_691 : vector<48x928xi32>
      %select_n3A_693 = arith.select %eq3A_692, %dot_general3A_525, %select_n3A_689 : vector<48x928xi1>, vector<48x928xf32>
      %eq3A_694 = arith.constant 7 : i32
      %eq3A_695 = vector.broadcast %eq3A_694 : i32 to vector<48x928xi32>
      %eq3A_696 = arith.cmpi eq, %add3A_413, %eq3A_695 : vector<48x928xi32>
      %select_n3A_697 = arith.select %eq3A_696, %dot_general3A_541, %select_n3A_693 : vector<48x928xi1>, vector<48x928xf32>
      %eq3A_698 = arith.constant 8 : i32
      %eq3A_699 = vector.broadcast %eq3A_698 : i32 to vector<48x928xi32>
      %eq3A_700 = arith.cmpi eq, %add3A_413, %eq3A_699 : vector<48x928xi32>
      %select_n3A_701 = arith.select %eq3A_700, %dot_general3A_557, %select_n3A_697 : vector<48x928xi1>, vector<48x928xf32>
      %eq3A_702 = arith.constant 9 : i32
      %eq3A_703 = vector.broadcast %eq3A_702 : i32 to vector<48x928xi32>
      %eq3A_704 = arith.cmpi eq, %add3A_413, %eq3A_703 : vector<48x928xi32>
      %select_n3A_705 = arith.select %eq3A_704, %dot_general3A_573, %select_n3A_701 : vector<48x928xi1>, vector<48x928xf32>
      %eq3A_706 = arith.constant 10 : i32
      %eq3A_707 = vector.broadcast %eq3A_706 : i32 to vector<48x928xi32>
      %eq3A_708 = arith.cmpi eq, %add3A_413, %eq3A_707 : vector<48x928xi32>
      %select_n3A_709 = arith.select %eq3A_708, %dot_general3A_589, %select_n3A_705 : vector<48x928xi1>, vector<48x928xf32>
      %eq3A_710 = arith.constant 11 : i32
      %eq3A_711 = vector.broadcast %eq3A_710 : i32 to vector<48x928xi32>
      %eq3A_712 = arith.cmpi eq, %add3A_413, %eq3A_711 : vector<48x928xi32>
      %select_n3A_713 = arith.select %eq3A_712, %dot_general3A_605, %select_n3A_709 : vector<48x928xi1>, vector<48x928xf32>
      %eq3A_714 = arith.constant 12 : i32
      %eq3A_715 = vector.broadcast %eq3A_714 : i32 to vector<48x928xi32>
      %eq3A_716 = arith.cmpi eq, %add3A_413, %eq3A_715 : vector<48x928xi32>
      %select_n3A_717 = arith.select %eq3A_716, %dot_general3A_621, %select_n3A_713 : vector<48x928xi1>, vector<48x928xf32>
      %eq3A_718 = arith.constant 13 : i32
      %eq3A_719 = vector.broadcast %eq3A_718 : i32 to vector<48x928xi32>
      %eq3A_720 = arith.cmpi eq, %add3A_413, %eq3A_719 : vector<48x928xi32>
      %select_n3A_721 = arith.select %eq3A_720, %dot_general3A_637, %select_n3A_717 : vector<48x928xi1>, vector<48x928xf32>
      %eq3A_722 = arith.constant 14 : i32
      %eq3A_723 = vector.broadcast %eq3A_722 : i32 to vector<48x928xi32>
      %eq3A_724 = arith.cmpi eq, %add3A_413, %eq3A_723 : vector<48x928xi32>
      %select_n3A_725 = arith.select %eq3A_724, %dot_general3A_653, %select_n3A_721 : vector<48x928xi1>, vector<48x928xf32>
      %eq3A_726 = arith.constant 15 : i32
      %eq3A_727 = vector.broadcast %eq3A_726 : i32 to vector<48x928xi32>
      %eq3A_728 = arith.cmpi eq, %add3A_413, %eq3A_727 : vector<48x928xi32>
      %select_n3A_729 = arith.select %eq3A_728, %dot_general3A_669, %select_n3A_725 : vector<48x928xi1>, vector<48x928xf32>
      %ge3A_730 = vector.broadcast %mul3A_78 : vector<48x1xf32> to vector<48x928xf32>
      %ge3A_731 = arith.cmpf oge, %select_n3A_729, %ge3A_730 : vector<48x928xf32>
      %mul3A_732 = arith.constant 2 : i32
      %mul3A_733 = vector.broadcast %mul3A_732 : i32 to vector<48x928xi32>
      %mul3A_734 = arith.muli %mul3A_733, %add3A_413 : vector<48x928xi32>
      %jit3A_735 = arith.constant 0 : i32
      %jit3A_736 = arith.constant 1 : i32
      %broadcast_in_dim3A_737 = vector.broadcast %jit3A_735 : i32 to vector<48x928xi32>
      %broadcast_in_dim3A_738 = vector.broadcast %jit3A_736 : i32 to vector<48x928xi32>
      %select_n3A_739 = arith.select %ge3A_731, %broadcast_in_dim3A_737, %broadcast_in_dim3A_738 : vector<48x928xi1>, vector<48x928xi32>
      %add3A_740 = arith.addi %mul3A_734, %select_n3A_739 : vector<48x928xi32>
      %swap3A_741 = arith.constant 0 : index
      %swap3A_742 = arith.constant 0 : index
      %swap3A_743 = vector.load %arg7[%swap3A_741, %swap3A_742] : memref<48x928xi32, #tpu.memory_space<vmem>>, vector<48x928xi32>
      tpu.vector_store %arg7[%swap3A_741, %swap3A_742], %add3A_740 {strides = array<i32>} : memref<48x928xi32, #tpu.memory_space<vmem>>, vector<48x928xi32>,
    } else {
    }
    %get3A = arith.constant 0 : index
    %get3A_2 = arith.constant 0 : index
    %get3A_3 = vector.load %arg5[%get3A, %get3A_2] : memref<1024x928xf32, #tpu.memory_space<vmem>>, vector<1024x928xf32>
    %get3A_4 = arith.constant 0 : index
    %get3A_5 = arith.constant 0 : index
    %get3A_6 = vector.load %arg6[%get3A_4, %get3A_5] : memref<1x928xf32, #tpu.memory_space<vmem>>, vector<1x928xf32>
    %sub3A = arith.constant -7.812500e-03 : f32
    %sub3A_7 = vector.broadcast %sub3A : f32 to vector<1x928xf32>
    %sub3A_8 = arith.subf %get3A_6, %sub3A_7 : vector<1x928xf32>
    %mul3A = arith.constant 3.125000e-02 : f32
    %mul3A_9 = vector.broadcast %mul3A : f32 to vector<1x928xf32>
    %mul3A_10 = arith.mulf %sub3A_8, %mul3A_9 : vector<1x928xf32>
    %get3A_11 = arith.index_cast %arg0 : i32 to index
    %get3A_12 = arith.constant 0 : index
    %get3A_13 = vector.load %arg7[%get3A_11, %get3A_12] : memref<48x928xi32, #tpu.memory_space<vmem>>, vector<1x928xi32>
    %convert_element_type3A_14 = arith.sitofp %get3A_13 : vector<1x928xi32> to vector<1x928xf32>
    %get3A_15 = arith.index_cast %arg0 : i32 to index
    %get3A_16 = arith.constant 0 : index
    %get3A_17 = vector.load %arg8[%get3A_15, %get3A_16] : memref<48x1xf32, #tpu.memory_space<vmem>>, vector<1x1xf32>
    %get3A_18 = arith.constant 0 : index
    %get3A_19 = arith.constant 0 : index
    %get3A_20 = arith.constant 0 : index
    %get3A_21 = vector.load %arg2[%get3A_18, %get3A_19, %get3A_20] : memref<1x1024x1xf32, #tpu.memory_space<vmem>>, vector<1x1024x1xf32>
    %get3A_22 = vector.shape_cast %get3A_21 : vector<1x1024x1xf32> to vector<1024x1xf32>
    %mul3A_23 = arith.mulf %convert_element_type3A_14, %mul3A_10 : vector<1x928xf32>
    %add3A = arith.constant -7.812500e-03 : f32
    %add3A_24 = vector.broadcast %add3A : f32 to vector<1x928xf32>
    %add3A_25 = arith.addf %add3A_24, %mul3A_23 : vector<1x928xf32>
    %add3A_26 = arith.addf %add3A_25, %mul3A_10 : vector<1x928xf32>
    %scan3A = arith.constant 0 : i32
    %scan3A_27 = arith.constant 6 : i32
    %scan3A_28 = arith.addi %scan3A, %scan3A_27 : i32
    %scan3A_29 = arith.constant 1 : i32
    %scan3A_30:2 = scf.for %scan3A_58 = %scan3A to %scan3A_28 step %scan3A_29 iter_args(%scan3A_59 = %add3A_25, %scan3A_60 = %add3A_26) -> (vector<1x928xf32>, vector<1x928xf32>)  : i32 {
      %add3A_61 = arith.addf %scan3A_59, %scan3A_60 : vector<1x928xf32>
      %mul3A_62 = arith.constant 5.000000e-01 : f32
      %mul3A_63 = vector.broadcast %mul3A_62 : f32 to vector<1x928xf32>
      %mul3A_64 = arith.mulf %mul3A_63, %add3A_61 : vector<1x928xf32>
      %le3A_65 = vector.broadcast %mul3A_64 : vector<1x928xf32> to vector<1024x928xf32>
      %le3A_66 = arith.cmpf ole, %get3A_3, %le3A_65 : vector<1024x928xf32>
      %jit3A_67 = arith.constant 0.000000e+00 : f32
      %broadcast_in_dim3A_68 = vector.shape_cast %get3A_22 : vector<1024x1xf32> to vector<1024x1xf32>
      %broadcast_in_dim3A_69 = vector.broadcast %broadcast_in_dim3A_68 : vector<1024x1xf32> to vector<1024x928xf32>
      %broadcast_in_dim3A_70 = vector.broadcast %jit3A_67 : f32 to vector<1024x928xf32>
      %select_n3A_71 = arith.select %le3A_66, %broadcast_in_dim3A_69, %broadcast_in_dim3A_70 : vector<1024x928xi1>, vector<1024x928xf32>
      %reduce_sum3A_72 = arith.constant dense<0.000000e+00> : vector<928xf32>
      %reduce_sum3A_73 = vector.multi_reduction <add>, %select_n3A_71, %reduce_sum3A_72 [0] : vector<1024x928xf32> to vector<928xf32>
      %broadcast_in_dim3A_74 = vector.shape_cast %reduce_sum3A_73 : vector<928xf32> to vector<1x928xf32>
      %ge3A = vector.broadcast %get3A_17 : vector<1x1xf32> to vector<1x928xf32>
      %ge3A_75 = arith.cmpf oge, %broadcast_in_dim3A_74, %ge3A : vector<1x928xf32>
      %select_n3A_76 = arith.select %ge3A_75, %scan3A_59, %mul3A_64 : vector<1x928xi1>, vector<1x928xf32>
      %select_n3A_77 = arith.select %ge3A_75, %mul3A_64, %scan3A_60 : vector<1x928xi1>, vector<1x928xf32>
      scf.yield %select_n3A_76, %select_n3A_77 : vector<1x928xf32>, vector<1x928xf32>
    }
    %add3A_31 = arith.addf %scan3A_30#0, %scan3A_30#1 : vector<1x928xf32>
    %mul3A_32 = arith.constant 5.000000e-01 : f32
    %mul3A_33 = vector.broadcast %mul3A_32 : f32 to vector<1x928xf32>
    %mul3A_34 = arith.mulf %mul3A_33, %add3A_31 : vector<1x928xf32>
    %le3A = vector.broadcast %scan3A_30#0 : vector<1x928xf32> to vector<1024x928xf32>
    %le3A_35 = arith.cmpf ole, %get3A_3, %le3A : vector<1024x928xf32>
    %jit3A = arith.constant 0.000000e+00 : f32
    %broadcast_in_dim3A = vector.shape_cast %get3A_22 : vector<1024x1xf32> to vector<1024x1xf32>
    %broadcast_in_dim3A_36 = vector.broadcast %broadcast_in_dim3A : vector<1024x1xf32> to vector<1024x928xf32>
    %broadcast_in_dim3A_37 = vector.broadcast %jit3A : f32 to vector<1024x928xf32>
    %select_n3A = arith.select %le3A_35, %broadcast_in_dim3A_36, %broadcast_in_dim3A_37 : vector<1024x928xi1>, vector<1024x928xf32>
    %reduce_sum3A = arith.constant dense<0.000000e+00> : vector<928xf32>
    %reduce_sum3A_38 = vector.multi_reduction <add>, %select_n3A, %reduce_sum3A [0] : vector<1024x928xf32> to vector<928xf32>
    %broadcast_in_dim3A_39 = vector.shape_cast %reduce_sum3A_38 : vector<928xf32> to vector<1x928xf32>
    %mul3A_40 = vector.broadcast %get3A_22 : vector<1024x1xf32> to vector<1024x928xf32>
    %mul3A_41 = arith.mulf %mul3A_40, %get3A_3 : vector<1024x928xf32>
    %jit3A_42 = arith.constant 0.000000e+00 : f32
    %broadcast_in_dim3A_43 = vector.broadcast %jit3A_42 : f32 to vector<1024x928xf32>
    %select_n3A_44 = arith.select %le3A_35, %mul3A_41, %broadcast_in_dim3A_43 : vector<1024x928xi1>, vector<1024x928xf32>
    %reduce_sum3A_45 = arith.constant dense<0.000000e+00> : vector<928xf32>
    %reduce_sum3A_46 = vector.multi_reduction <add>, %select_n3A_44, %reduce_sum3A_45 [0] : vector<1024x928xf32> to vector<928xf32>
    %broadcast_in_dim3A_47 = vector.shape_cast %reduce_sum3A_46 : vector<928xf32> to vector<1x928xf32>
    %sub3A_48 = vector.broadcast %get3A_17 : vector<1x1xf32> to vector<1x928xf32>
    %sub3A_49 = arith.subf %sub3A_48, %broadcast_in_dim3A_39 : vector<1x928xf32>
    %mul3A_50 = arith.mulf %mul3A_34, %sub3A_49 : vector<1x928xf32>
    %add3A_51 = arith.addf %broadcast_in_dim3A_47, %mul3A_50 : vector<1x928xf32>
    %max3A = arith.constant 0.000000e+00 : f32
    %max3A_52 = vector.broadcast %max3A : f32 to vector<1x928xf32>
    %max3A_53 = arith.maximumf %add3A_51, %max3A_52 : vector<1x928xf32>
    %div3A = vector.broadcast %get3A_17 : vector<1x1xf32> to vector<1x928xf32>
    %div3A_54 = arith.divf %max3A_53, %div3A : vector<1x928xf32>
    %sqrt3A = math.sqrt %div3A_54 : vector<1x928xf32>
    %reshape3A = vector.shape_cast %sqrt3A : vector<1x928xf32> to vector<1x1x928xf32>
    %swap3A = arith.constant 0 : index
    %swap3A_55 = arith.constant 0 : index
    %swap3A_56 = arith.constant 0 : index
    %swap3A_57 = vector.load %arg4[%swap3A, %swap3A_55, %swap3A_56] : memref<1x1x928xf32, #tpu.memory_space<vmem>>, vector<1x1x928xf32>
    tpu.vector_store %arg4[%swap3A, %swap3A_55, %swap3A_56], %reshape3A {strides = array<i32>} : memref<1x1x928xf32, #tpu.memory_space<vmem>>, vector<1x1x928xf32>,
    return
  }
  func.func @transform_0(%arg0: i32) -> (i32, i32) {
    %c0_i32 = arith.constant 0 : i32
    %c0_i32_0 = arith.constant 0 : i32
    %c0_i32_1 = arith.constant 0 : i32
    return %c0_i32, %c0_i32_0 : i32, i32
  }
  func.func @transform_1(%arg0: i32) -> (i32, i32, i32) {
    %c0_i32 = arith.constant 0 : i32
    %c0_i32_0 = arith.constant 0 : i32
    %c0_i32_1 = arith.constant 0 : i32
    return %arg0, %c0_i32, %c0_i32_0 : i32, i32, i32
  }
  func.func @transform_2(%arg0: i32) -> (i32, i32) {
    %c0_i32 = arith.constant 0 : i32
    %c0_i32_0 = arith.constant 0 : i32
    %c0_i32_1 = arith.constant 0 : i32
    return %c0_i32, %c0_i32_0 : i32, i32
  }
  func.func @transform_3(%arg0: i32) -> (i32, i32, i32) {
    %c0_i32 = arith.constant 0 : i32
    %c0_i32_0 = arith.constant 0 : i32
    %c0_i32_1 = arith.constant 0 : i32
    return %arg0, %c0_i32, %c0_i32_0 : i32, i32, i32
  }
}

</mosaic_0001>

<sc_bundles>
// kernel: kernel.4.cloned.1.call-start
scs
__scs_entry_jumppad:
0x0: {  	(pc) =	sbr.rel $0x88, $3  }
0x1: {  	(tag) =	ssettag $0x0;
	lr =	simm.s32 $0x1  }
0x2: {  	[smem:$0x3F9F] =	sst lr;
	_ =	strace $0xD0000000  }
0x3: {  	_ = 	snop  }
0x4: {  	_ = 	snop  }
0x5: {  	_ = 	snop  }
0x6: {  	_ = 	snop  }
0x7: {  	_ = 	snop  }
__scs_overlays_trampoline_lowered:
0x8: {  	[smem:$0x3FAE] =	sst s0  }
0x9: {  	[smem:$0x3FAF] =	sst s1  }
0xa: {  	[smem:$0x3FB0] =	sst s2  }
0xb: {  	[smem:$0x3FB1] =	sst s3  }
0xc: {  	[smem:$0x3FB2] =	sst s4  }
0xd: {  	[smem:$0x3FB3] =	sst s5  }
0xe: {  	[smem:$0x3FB4] =	sst s6  }
0xf: {  	[smem:$0x3FB5] =	sst s7  }
0x10: {  	[smem:$0x3FB6] =	sst s8  }
0x11: {  	[smem:$0x3FB7] =	sst s9;
	s0 =	simm.s32 @!p0 $0x0  }
0x12: {  	s1 =	sld [smem:$0x3F9D];
	s0 =	simm.s32 @p0 $0x1  }
0x13: {  	[smem:$0x3FB8] =	sst s0;
	s0 =	simm.s32 @!p1 $0x0  }
0x14: {  	s2 =	sld [smem:$0x3F9C];
	s0 =	simm.s32 @p1 $0x1  }
0x15: {  	[smem:$0x3FB9] =	sst s0;
	s0 =	simm.s32 @!p2 $0x0  }
0x16: {  	s3 =	sld [smem:$0x3FDB];
	s0 =	simm.s32 @p2 $0x1  }
0x17: {  	s4 =	simm.s32 $0x1BF5;
	[smem:$0x3FBB] =	sst s0  }
0x18: {  	s0 =	sld [smem:$0x3F9E];
	_ =	swait.ge [sflag:s4], $0x0  }
0x19: {  	s7 =	sld [smem:$0x3F9F]  }
0x1a: {  	s8 =	sadd.s32 $0xFFFFE003, lr  }
0x1b: {  	s9 =	sadd.s32 $0xFFFFFEF7, lr;
	s5 =	simm.s32 $0xFFFFFFFF;
	p2 =	slt.u32 s8, $0xFFFFF086  }
0x1c: {  	p1 =	slt.u32 s9, $0xF7A;
	s5 =	simm.s32 @!p2 $0x0  }
0x1d: {  	s5 =	simm.s32 @p1 $0x1;
	p0 =	seq.s32 s7, s2  }
0x1e: {  	s7 =	smul.u32 @!p0 $0xF7A, s2;
	p2 =	seq.s32 @!p0 s5, $0x0  }
0x1f: {  	s9 =	smul.u32 $0xF7A, s1;
	s8 =	simm.s32 @!p0 $0x1BF5;
	p2 =	por !p2, p0  }
0x20: {  	[sflag:s8] =	ssyncset.s32 @!p0 $0xFFFFF086;
	s6 =	sadd.s32 @!p0 s3, s7;
	s7 =	simm.s32 @!p0 $0x108  }
0x21: {  	s3 =	sadd.s32 s3, s9;
	s6 =	sadd.s32 @!p0 $0x88, s6;
	s7 =	simm.s32 @p2 $0x1082  }
0x22: {  	[simem:s7], [sflag:s8] =	dma.local @!p0 [hbm:s6], $0xF7A  }
0x23: {  	s9 =	sor.u32 $0xD0000000, s2;
	s6 =	simm.s32 $0x108;
	_ =	swait.ge @!p0 [sflag:s8], $0x0  }
0x24: {  	s3 =	sadd.s32 $0x88, s3;
	s6 =	simm.s32 @!p1 $0x1082;
	[sflag:s4] =	ssyncset.s32 $0xFFFFF086  }
0x25: {  	[simem:s6], [sflag:s4] =	dma.local [hbm:s3], $0xF7A  }
0x26: {  	[smem:$0x3F9F] =	sst s1;
	(tag) =	ssettag s2;
	_ =	strace s9  }
0x27: {  	s1 =	sld [smem:$0x3FAF]  }
0x28: {  	s2 =	sld [smem:$0x3FB0]  }
0x29: {  	s4 =	sld [smem:$0x3FB2]  }
0x2a: {  	p0 =	seq.s32 s5, $0x0;
	s5 =	sld [smem:$0x3FB3]  }
0x2b: {  	s6 =	sld [smem:$0x3FB4]  }
0x2c: {  	s7 =	sld [smem:$0x3FB5]  }
0x2d: {  	s3 =	simm.s32 $0x108;
	s8 =	sld [smem:$0x3FB6]  }
0x2e: {  	s3 =	simm.s32 @!p0 $0x1082;
	s9 =	sld [smem:$0x3FB7]  }
0x2f: {  	lr =	sadd.s32 s0, s3;
	s0 =	sld [smem:$0x3FAE]  }
0x30: {  	s3 =	sld [smem:$0x3FB1]  }
0x31: {  	[smem:$0x3FBA] =	sst s10  }
0x32: {  	s10 =	sld [smem:$0x3FB8];
	_ =	sdelay $0x3  }
0x33: {  	p0 =	seq.s32 s10, $0x1;
	s10 =	sld [smem:$0x3FBA];
	_ =	sdelay $0x3  }
0x34: {  	[smem:$0x3FBA] =	sst s10  }
0x35: {  	s10 =	sld [smem:$0x3FB9];
	_ =	sdelay $0x3  }
0x36: {  	p1 =	seq.s32 s10, $0x1;
	s10 =	sld [smem:$0x3FBA];
	_ =	sdelay $0x3  }
0x37: {  	[smem:$0x3FBA] =	sst s10  }
0x38: {  	s10 =	sld [smem:$0x3FBB]  }
0x39: {  	_ = 	snop;
	(pc) =	sbr.ind lr, $3  }
0x3a: {  	_ = 	snop  }
0x3b: {  	_ = 	snop  }
0x3c: {  	p2 =	seq.s32 s10, $0x1;
	s10 =	sld [smem:$0x3FBA]  }
0x3d: {  	_ =	shalt  }
0x3e: {  	_ =	shalt  }
0x3f: {  	_ =	shalt  }
0x40: {  	_ =	shalt  }
0x41: {  	_ =	shalt  }
0x42: {  	_ =	shalt  }
0x43: {  	_ =	shalt  }
0x44: {  	_ =	shalt  }
0x45: {  	_ =	shalt  }
0x46: {  	_ =	shalt  }
0x47: {  	_ =	shalt  }
0x48: {  	_ =	shalt  }
0x49: {  	_ =	shalt  }
0x4a: {  	_ =	shalt  }
0x4b: {  	_ =	shalt  }
0x4c: {  	_ =	shalt  }
0x4d: {  	_ =	shalt  }
0x4e: {  	_ =	shalt  }
0x4f: {  	_ =	shalt  }
0x50: {  	_ =	shalt  }
0x51: {  	_ =	shalt  }
0x52: {  	_ =	shalt  }
0x53: {  	_ =	shalt  }
0x54: {  	_ =	shalt  }
0x55: {  	_ =	shalt  }
0x56: {  	_ =	shalt  }
0x57: {  	_ =	shalt  }
0x58: {  	_ =	shalt  }
0x59: {  	_ =	shalt  }
0x5a: {  	_ =	shalt  }
0x5b: {  	_ =	shalt  }
0x5c: {  	_ =	shalt  }
0x5d: {  	_ =	shalt  }
0x5e: {  	_ =	shalt  }
0x5f: {  	_ =	shalt  }
0x60: {  	_ =	shalt  }
0x61: {  	_ =	shalt  }
0x62: {  	_ =	shalt  }
0x63: {  	_ =	shalt  }
0x64: {  	_ =	shalt  }
0x65: {  	_ =	shalt  }
0x66: {  	_ =	shalt  }
0x67: {  	_ =	shalt  }
0x68: {  	_ =	shalt  }
0x69: {  	_ =	shalt  }
0x6a: {  	_ =	shalt  }
0x6b: {  	_ =	shalt  }
0x6c: {  	_ =	shalt  }
0x6d: {  	_ =	shalt  }
0x6e: {  	_ =	shalt  }
0x6f: {  	_ =	shalt  }
0x70: {  	_ =	shalt  }
0x71: {  	_ =	shalt  }
0x72: {  	_ =	shalt  }
0x73: {  	_ =	shalt  }
0x74: {  	_ =	shalt  }
0x75: {  	_ =	shalt  }
0x76: {  	_ =	shalt  }
0x77: {  	_ =	shalt  }
0x78: {  	_ =	shalt  }
0x79: {  	_ =	shalt  }
0x7a: {  	_ =	shalt  }
0x7b: {  	_ =	shalt  }
0x7c: {  	_ =	shalt  }
0x7d: {  	_ =	shalt  }
0x7e: {  	_ =	shalt  }
0x7f: {  	_ =	shalt  }
0x80: {  	_ =	shalt  }
0x81: {  	_ =	shalt  }
0x82: {  	_ =	shalt  }
0x83: {  	_ =	shalt  }
0x84: {  	_ =	shalt  }
0x85: {  	_ =	shalt  }
0x86: {  	_ =	shalt  }
0x87: {  	_ =	shalt  }
.Lfunc_end0:
.L_simem_size_0:
called_computation_lowered:
.L_overlay_start_0:
0x88: {  	s2 =	sld [smem:$0x3FD9]  }
0x89: {  	s3 =	sld [smem:$0x3FFE];
	_ =	sdelay $0x1  }
0x8a: {  	s1 =	srdreg.scid  }
0x8b: {  	s0 =	sand.u32 $0x1, s1  }
0x8c: {  	s17 =	sshll.u32 s0, $0xA;
	s2 =	sadd.s32 s3, s2  }
0x8d: {  	s2 =	sadd.s32 s2, s17  }
0x8e: {  	[smem:$0x3FC6] =	sst s2  }
0x8f: {  	_ = 	snop  }
0x90: {  	s2 =	sld [smem:$0x3FD0];
	(tm) =	ssettm $0x1  }
0x91: {  	s18 =	sld [smem:$0x3FFB];
	_ =	sdelay $0x3  }
0x92: {  	_ =	strace s18  }
0x93: {  	s3 =	sld [smem:$0x3FFC];
	_ =	sdelay $0x3  }
0x94: {  	_ =	strace s3  }
0x95: {  	s3 =	sld [smem:$0x3FFD];
	_ =	sdelay $0x3  }
0x96: {  	_ =	strace s3  }
0x97: {  	_ =	strace $0x8FFFFFFF  }
0x98: {  	s19 =	sld [smem:$0x3FDB];
	_ =	sdelay $0x1  }
0x99: {  	s4 =	simm.s32 $_scs_section_size  }
0x9a: {  	s5 =	simm.s32 $_size__tile_overlayer_lowered;
	s6 =	simm.s32 $_tile_overlayer_lowered  }
0x9b: {  	s22 =	simm.s32 $0x1BFF;
	s21 =	sshll.u32 s6, $0x1;
	s3 =	sadd.s32 s4, s19  }
0x9c: {  	s7 =	simm.s32 $0x0;
	s20 =	sshll.u32 s5, $0x1;
	s5 =	sadd.s32 s21, s3  }
0x9d: {  	[timem:s7], [sflag:s22] =	dma.local [hbm:s5], s20  }
0x9e: {  	_ =	swait.ge [sflag:s22], s20  }
0x9f: {  	s4 =	ssub.s32 $0x0, s20;
	[sflag:s22] =	ssyncset.done $0x0  }
0xa0: {  	[sflag:s22] =	ssyncadd.s32 s4;
	_ =	sdelay $0x1  }
0xa1: {  	s23 =	simm.s32 $0x1B8B  }
0xa2: {  	_ =	swait.ge [sflag:s23], $0x1  }
0xa3: {  	[sflag:s23] =	ssyncset.done $0x0  }
0xa4: {  	s25 =	simm.s32 $0x1B8E;
	s24 =	sld [smem:$0x3FFE];
	[sflag:s23] =	ssyncadd.s32 $0xFFFFFFFF  }
0xa5: {  	s26 =	simm.s32 $execute0_lowered;
	[smem:$0x3FD2] =	sst s25  }
0xa6: {  	s5 =	sshll.u32 s26, $0x1;
	_ =	strace $0x80000046;
	[dreg:$0x1] =	wrdreg $0xFFFFFFFF  }
0xa7: {  	s28 =	simm.s32 $_size_execute0_lowered;
	s3 =	sadd.s32 s3, s5;
	[dreg:$0x0] =	wrdreg $0x0  }
0xa8: {  	s5 =	sshll.u32 s28, $0x1;
	[dreg:$0x2] =	wrdreg s3  }
0xa9: {  	[dreg:$0x3] =	wrdreg s5  }
0xaa: {  	[dreg:$0x4] =	wrdreg $0xC0  }
0xab: {  	_ =	task [dreg:s7], $0x5FFFF  }
0xac: {  	[dreg:$0x1] =	wrdreg $0xFFFFFFFF  }
0xad: {  	[dreg:$0x0] =	wrdreg $0x60  }
0xae: {  	[dreg:$0x2] =	wrdreg s24  }
0xaf: {  	[dreg:$0x3] =	wrdreg s2  }
0xb0: {  	[dreg:$0x4] =	wrdreg $0x9  }
0xb1: {  	_ =	task.clear_ibuf [dreg:s7], $0x5FFFF;
	_ =	strace $0x90000046  }
0xb2: {  	s29 =	simm.s32 $0x9;
	_ =	strace $0x80000048  }
0xb3: {  	_ =	swait.ge [sflag:s29], $0x1  }
0xb4: {  	[sflag:s29] =	ssyncadd.s32 $0xFFFFFFFF  }
0xb5: {  	_ =	strace $0x90000048  }
0xb6: {  	_ =	sfence  }
0xb7: {  	s30 =	sld [smem:$0x0];
	_ =	sdelay $0x2  }
0xb8: {  	s31 =	sshll.u32 s1, $0xD;
	s1 =	sshrl.u32 s1, $0x2  }
0xb9: {  	s3 =	sand.u32 $0x4000, s31;
	s1 =	sadd.s32 s1, s30  }
0xba: {  	s0 =	sor.u32 s3, s0;
	s1 =	sshll.u32 s1, $0x11  }
0xbb: {  	s0 =	sor.u32 s1, s0  }
0xbc: {  	s0 =	sadd.s32 $0x8F2B, s0  }
0xbd: {  	[sflag:s0] =	ssyncadd.remote.s32 $0x1  }
0xbe: {  	_ =	sfence.sel $0xFFFF  }
0xbf: {  	[dreg:$0x0] =	wrdreg $0xFFFFFFFF;
	(pc) =	sbr.abs _section_cstart, $3  }
0xc0: {  	[dreg:$0x1] =	wrdreg $0xFFFFFFFF  }
0xc1: {  	_ =	task.clear_ibuf [dreg:s7], $0x2FFFF;
	_ =	strace $0x9FFFFFFF  }
0xc2: {  	(tm) =	ssettm $0x7FFFFFFF  }
0xc3: {  	_ =	shalt  }
tec
execute0_lowered:
.L_overlay_start_1:
0x0: {  	(tag) =	ssettag $0x1  }
0x1: {  	v0 =	vimm.s32 $0xFEDCBA98;
	v1 =	vimm.s32 $0x76543210  }
0x2: {  	v3 =	vimm.s32 $0x32107654;
	v4 =	vimm.s32 $0xDCFE98BA;
	v5 =	vimm.s32 $0x54761032  }
0x3: {  	v6 =	vimm.s32 $0xEFCDAB89;
	v7 =	vimm.s32 $0x67452301;
	v0 =	vunpack.c.l.s4.s8 v0  }
0x4: {  	s1 =	srdreg.scid;
	s4 =	rddreg [dreg:$0x0];
	v1 =	vunpack.c.l.s4.s8 v1;
	v3 =	vunpack.c.l.s4.s8 v3;
	v4 =	vunpack.c.l.s4.s8 v4  }
0x5: {  	s0 =	stileid.u32;
	s5 =	rddreg [dreg:$0x1];
	v5 =	vunpack.c.l.s4.s8 v5;
	v2 =	vunpack.c.0.s8.s32 v0;
	v0 =	vimm.s32 $0xBA98FEDC  }
0x6: {  	s2 =	simm.s32 $0x0;
	s3 =	sand.u32 $0x1, s1;
	s31 =	sshll.u32 s0, $0x1;
	v6 =	vunpack.c.l.s4.s8 v6;
	v7 =	vunpack.c.l.s4.s8 v7;
	v0 =	vunpack.c.l.s4.s8 v0  }
0x7: {  	s10 =	simm.s32 $0x0;
	s1 =	rddreg [dreg:$0x2];
	s6 =	sor.u32 s3, s31;
	v3 =	vunpack.c.0.s8.s32 v3;
	v4 =	vunpack.c.0.s8.s32 v4;
	v5 =	vunpack.c.0.s8.s32 v5  }
0x8: {  	[smem:$0x7FF] =	sst s2;
	s8 =	ssub.s32 $0x2, s3;
	s7 =	smul.u32 $0x12, s6;
	v6 =	vunpack.c.0.s8.s32 v6;
	v7 =	vunpack.c.0.s8.s32 v7;
	v0 =	vunpack.c.0.s8.s32 v0  }
0x9: {  	_ =	strace $0x80000047;
	s6 =	smul.u32 $0x180, s6;
	s9 =	sshrl.u32 s8, $0x1;
	v8 =	vunpack.c.0.s8.s32 v1;
	v1 =	vcombine.low v5, v4  }
0xa: {  	s3 =	sadd.s32 $0xA00, s4;
	s8 =	ssub.s32 s8, s9;
	s9 =	simm.s32 $0xCC00;
	v0 =	vcombine.low v3, v0;
	v3 =	vand.u32 $0xF, v2;
	v2 =	vcombine.low v7, v6  }
0xb: {  	s7 =	sadd.s32 s7, s4;
	s4 =	sadd.s32 s5, s6;
	s6 =	smax.u32 s8, $0x1;
	v5 =	vand.u32 $0xF, v1;
	v7 =	vlaneseq.u32  }
0xc: {  	s8 =	simm.s32 $0xC00;
	s5 =	sadd.s32 $0x2200, s7;
	s7 =	simm.s32 $0x1;
	v3 =	vcombine.low v3, v8;
	v4 =	vand.u32 $0xF, v0;
	v6 =	vand.u32 $0xF, v2  }
.LBB2_1:
0xd: {  	[tilespmem:s2], [sflag:$0x1] =	stream.linear.gather [hbm4b:s4+s2], $0xC00, $0x38;
	[tilespmem:$0xCD00] =	vst v63  }
0xe: {  	_ =	swait.ge [sflag:s7], $0xC00  }
0xf: {  	[sflag:s7] =	ssyncset.done $0x0  }
0x10: {  	[sflag:s7] =	ssyncadd.s32 $0xFFFFF400  }
0x11: {  	[tilespmem:s8], [sflag:$0x1] =	stream.linear.gather [hbm4b:s3+s2], $0xC000, $0x38;
	[tilespmem:$0xCD00] =	vst v63  }
0x12: {  	_ =	swait.ge [sflag:s7], $0xC000  }
0x13: {  	[sflag:s7] =	ssyncset.done $0x0  }
0x14: {  	s11 =	simm.s32 $0x0;
	[sflag:s7] =	ssyncadd.s32 $0xFFFF4000  }
.LBB2_2:
0x15: {  	s12 =	sshll.u32 s11, $0xA;
	s13 =	sshll.u32 s11, $0x7  }
0x16: {  	s12 =	sand.u32 $0xE000, s12;
	s13 =	sand.u32 $0x380, s13  }
0x17: {  	s31 =	simm.s32 $0x0;
	s12 =	sor.u32 s13, s12  }
0x18: {  	s14 =	sand.u32 $0x1C00, s31;
	s12 =	sor.u32 $0xC00, s12  }
0x19: {  	s13 =	sand.u32 $0x70, s31;
	s14 =	sadd.s32 s14, s12  }
0x1a: {  	s14 =	sadd.s32 s13, s14  }
0x1b: {  	v9 =	vld [tilespmem:s14+$0x0]  }
0x1c: {  	v8 =	vimm.f32 $0.0e+00;
	s13 =	simm.s32 $0x10;
	s14 =	simm.s32 $0x80  }
.LBB2_3:
0x1d: {  	s15 =	sand.u32 $0x1C00, s14  }
0x1e: {  	p0 =	sne.s32 s13, $0x3F0;
	s16 =	smov.u32 s13;
	s13 =	sadd.s32 $0x10, s13  }
.Ltmp0:
0x1f: {  	s16 =	sand.u32 $0x70, s16;
	s15 =	sadd.s32 s15, s12;
	(pc) =	sbr.rel @p0 .LBB2_3-.Ltmp0, $3  }
0x20: {  	s15 =	sadd.s32 s16, s15;
	v8 =	vadd.f32 v9, v8  }
0x21: {  	v9 =	vld [tilespmem:s15+$0x0];
	_ =	sdelay $0x1  }
0x22: {  	s14 =	sadd.s32 $0x80, s14  }
0x23: {  	_ =	sdelay $0x1  }
0x24: {  	v8 =	vadd.f32 v9, v8;
	_ =	sdelay $0x1  }
0x25: {  	v9 =	vperm.xlane v8, v3;
	_ =	sdelay $0x1  }
0x26: {  	v8 =	vadd.f32 v9, v8;
	_ =	sdelay $0x1  }
0x27: {  	v9 =	vperm.xlane v8, v0;
	_ =	sdelay $0x1  }
0x28: {  	v8 =	vadd.f32 v9, v8;
	_ =	sdelay $0x1  }
0x29: {  	v9 =	vperm.xlane v8, v1;
	_ =	sdelay $0x1  }
0x2a: {  	v8 =	vadd.f32 v9, v8;
	_ =	sdelay $0x1  }
0x2b: {  	v9 =	vperm.xlane v8, v2;
	_ =	sdelay $0x1  }
0x2c: {  	v8 =	vadd.f32 v9, v8;
	_ =	sdelay $0x1  }
0x2d: {  	(v2sf) =	vpush v8, $0x0;
	_ =	sdelay $0xe  }
0x2e: {  	s12 =	spop (v2sf)  }
0x2f: {  	s12 =	smul.f32 $5.000000070e-02, s12;
	_ =	sdelay $0x1  }
0x30: {  	[smem:s11] =	sst s12;
	s11 =	sadd.s32 $0x1, s11  }
0x31: {  	p0 =	sne.s32 s11, $0x30  }
.Ltmp1:
0x32: {  	_ = 	snop;
	(pc) =	sbr.rel @p0 .LBB2_2-.Ltmp1, $1  }
0x33: {  	_ =	sdelay $0x3  }
0x34: {  	s11 =	simm.s32 $0x0  }
0x35: {  	v8 =	vimm.f32 $-1.000000000e+00;
	s12 =	simm.s32 $0x10;
	s11 =	sand.u32 $0x3F0, s11  }
.LBB2_6:
0x36: {  	p0 =	sne.s32 s12, $0x3F0;
	v9 =	vld [tilespmem:s11+$0x0];
	_ =	sdelay $0x2  }
.Ltmp2:
0x37: {  	(pc) =	sbr.rel @p0 .LBB2_6-.Ltmp2, $3  }
0x38: {  	_ = 	snop  }
0x39: {  	v9 =	vmul.f32 v9, v9;
	_ =	sdelay $0x1  }
0x3a: {  	[tilespmem:s11+$0x0] =	vst v9;
	s11 =	sand.u32 $0x3F0, s12;
	s12 =	sadd.s32 $0x10, s12;
	v8 =	vmax.f32 v8, v9  }
0x3b: {  	v9 =	vld [tilespmem:s11+$0x0];
	_ =	sdelay $0x4  }
0x3c: {  	v9 =	vmul.f32 v9, v9;
	_ =	sdelay $0x1  }
0x3d: {  	v8 =	vmax.f32 v8, v9  }
0x3e: {  	v10 =	vperm.xlane v8, v3;
	_ =	sdelay $0x1  }
0x3f: {  	v8 =	vmax.f32 v8, v10  }
0x40: {  	v10 =	vperm.xlane v8, v0;
	_ =	sdelay $0x1  }
0x41: {  	v8 =	vmax.f32 v8, v10  }
0x42: {  	v10 =	vperm.xlane v8, v1;
	_ =	sdelay $0x1  }
0x43: {  	v8 =	vmax.f32 v8, v10  }
0x44: {  	v10 =	vperm.xlane v8, v2;
	_ =	sdelay $0x1  }
0x45: {  	v8 =	vmax.f32 v8, v10  }
0x46: {  	(v2sf) =	vpush v8, $0x0;
	_ =	sdelay $0xe  }
0x47: {  	s13 =	simm.s32 $0x0;
	s12 =	spop (v2sf)  }
0x48: {  	[tilespmem:s11+$0x0] =	vst v9;
	s11 =	sand.u32 $0x3F0, s13;
	v8 =	vimm.f32 $-1.000000000e+00;
	[smem:$0x80] =	sst s12;
	s12 =	simm.s32 $0x10  }
.LBB2_8:
0x49: {  	p0 =	sne.s32 s12, $0x3F0;
	v9 =	vld [tilespmem:s11+$0x400];
	_ =	sdelay $0x2  }
.Ltmp3:
0x4a: {  	(pc) =	sbr.rel @p0 .LBB2_8-.Ltmp3, $3  }
0x4b: {  	_ = 	snop  }
0x4c: {  	v9 =	vmul.f32 v9, v9;
	_ =	sdelay $0x1  }
0x4d: {  	[tilespmem:s11+$0x400] =	vst v9;
	s11 =	sand.u32 $0x3F0, s12;
	s12 =	sadd.s32 $0x10, s12;
	v8 =	vmax.f32 v8, v9  }
0x4e: {  	v9 =	vld [tilespmem:s11+$0x400];
	_ =	sdelay $0x4  }
0x4f: {  	v9 =	vmul.f32 v9, v9;
	_ =	sdelay $0x1  }
0x50: {  	v8 =	vmax.f32 v8, v9  }
0x51: {  	v10 =	vperm.xlane v8, v3;
	_ =	sdelay $0x1  }
0x52: {  	v8 =	vmax.f32 v8, v10  }
0x53: {  	v10 =	vperm.xlane v8, v0;
	_ =	sdelay $0x1  }
0x54: {  	v8 =	vmax.f32 v8, v10  }
0x55: {  	v10 =	vperm.xlane v8, v1;
	_ =	sdelay $0x1  }
0x56: {  	v8 =	vmax.f32 v8, v10  }
0x57: {  	v10 =	vperm.xlane v8, v2;
	_ =	sdelay $0x1  }
0x58: {  	v8 =	vmax.f32 v8, v10  }
0x59: {  	(v2sf) =	vpush v8, $0x0;
	_ =	sdelay $0xe  }
0x5a: {  	s13 =	simm.s32 $0x0;
	s12 =	spop (v2sf)  }
0x5b: {  	[tilespmem:s11+$0x400] =	vst v9;
	s11 =	sand.u32 $0x3F0, s13;
	v8 =	vimm.f32 $-1.000000000e+00;
	[smem:$0x81] =	sst s12;
	s12 =	simm.s32 $0x10  }
.LBB2_10:
0x5c: {  	p0 =	sne.s32 s12, $0x3F0;
	v9 =	vld [tilespmem:s11+$0x800];
	_ =	sdelay $0x2  }
.Ltmp4:
0x5d: {  	(pc) =	sbr.rel @p0 .LBB2_10-.Ltmp4, $3  }
0x5e: {  	_ = 	snop  }
0x5f: {  	v9 =	vmul.f32 v9, v9;
	_ =	sdelay $0x1  }
0x60: {  	[tilespmem:s11+$0x800] =	vst v9;
	s11 =	sand.u32 $0x3F0, s12;
	s12 =	sadd.s32 $0x10, s12;
	v8 =	vmax.f32 v8, v9  }
0x61: {  	v9 =	vld [tilespmem:s11+$0x800];
	_ =	sdelay $0x4  }
0x62: {  	v9 =	vmul.f32 v9, v9;
	_ =	sdelay $0x1  }
0x63: {  	v8 =	vmax.f32 v8, v9  }
0x64: {  	v10 =	vperm.xlane v8, v3;
	_ =	sdelay $0x1  }
0x65: {  	v8 =	vmax.f32 v8, v10  }
0x66: {  	v10 =	vperm.xlane v8, v0;
	_ =	sdelay $0x1  }
0x67: {  	v8 =	vmax.f32 v8, v10  }
0x68: {  	v10 =	vperm.xlane v8, v1;
	_ =	sdelay $0x1  }
0x69: {  	v8 =	vmax.f32 v8, v10  }
0x6a: {  	v10 =	vperm.xlane v8, v2;
	_ =	sdelay $0x1  }
0x6b: {  	v8 =	vmax.f32 v8, v10  }
0x6c: {  	(v2sf) =	vpush v8, $0x0;
	_ =	sdelay $0xe  }
0x6d: {  	s12 =	spop (v2sf)  }
0x6e: {  	[tilespmem:s11+$0x800] =	vst v9;
	s11 =	simm.s32 $0x0;
	[smem:$0x82] =	sst s12;
	s12 =	simm.s32 $0x40  }
.LBB2_12:
0x6f: {  	s13 =	smul.u32 $0xC0, s11;
	_ =	sdelay $0x1  }
0x70: {  	s13 =	sshra.s32 s13, $0x2  }
0x71: {  	s14 =	sadd.s32 $0xCC00, s13  }
0x72: {  	s15 =	simm.s32 $0x0;
	s13 =	sld [smem:s11+$0x80];
	v8 =	vmov s14;
	s14 =	simm.s32 $0x0  }
.LBB2_13:
0x73: {  	s16 =	sshll.u32 s15, $0x4  }
0x74: {  	s17 =	simm.s32 $0x0;
	v9 =	vimm.f32 $0.0e+00;
	s18 =	smov.u32 s14;
	v10 =	vimm.f32 $0.0e+00;
	s19 =	simm.s32 $0x0  }
.LBB2_14:
0x75: {  	s20 =	sshll.u32 s18, $0x2;
	s21 =	sand.u32 $0x7, s17  }
0x76: {  	s20 =	sand.u32 $0xFFFF8000, s20;
	s21 =	sshll.u32 s21, $0x9  }
0x77: {  	s20 =	sor.u32 s21, s20  }
0x78: {  	s20 =	sshrl.u32 s20, $0x2  }
0x79: {  	s31 =	sor.u32 $0xC40, s20  }
0x7a: {  	v11 =	vmov s31;
	_ =	sdelay $0x2  }
0x7b: {  	s23 =	simm.f32 $-7.812500000e-03  }
0x7c: {  	s24 =	simm.s32 $0x0;
	s21 =	smov.u32 s13;
	s20 =	sld [smem:s19+s16]  }
.LBB2_15:
0x7d: {  	_ =	sdelay $0x1  }
0x7e: {  	v13 =	vld [tilespmem:s12+$0xFFFFFFC0]  }
0x7f: {  	s22 =	simm.s32 $0x0;
	s25 =	sadd.f32 s21, s23;
	v15 =	vld [tilespmem:s12+$0xFFFFFFD0]  }
0x80: {  	v14 =	vld.idx.msk [tilespmem:v11+s22+$0xFFFFFFC0 ss:$0x1], $0xffff  }
0x81: {  	v17 =	vld [tilespmem:s12+$0xFFFFFFE0];
	s25 =	smul.f32 $5.000000000e-01, s25  }
0x82: {  	v16 =	vld.idx.msk [tilespmem:v11+s22+$0xFFFFFFD0 ss:$0x1], $0xffff  }
0x83: {  	v19 =	vld [tilespmem:s12+$0xFFFFFFF0];
	v12 =	vmov s25  }
0x84: {  	v18 =	vld.idx.msk [tilespmem:v11+s22+$0xFFFFFFE0 ss:$0x1], $0xffff;
	vm0 =	vle.f32 v13, v12  }
0x85: {  	v21 =	vld [tilespmem:s12+$0x0];
	v13 =	vimm.f32 $0.0e+00;
	v14 =	vnsel vm0, $0x0, v14  }
0x86: {  	v20 =	vld.idx.msk [tilespmem:v11+s22+$0xFFFFFFF0 ss:$0x1], $0xffff;
	vm0 =	vle.f32 v15, v12;
	v13 =	vadd.f32 v14, v13  }
0x87: {  	v23 =	vld [tilespmem:s12+$0x10];
	v14 =	vnsel vm0, $0x0, v16  }
0x88: {  	v22 =	vld.idx.msk [tilespmem:v11+s22+$0x0 ss:$0x1], $0xffff;
	vm0 =	vle.f32 v17, v12;
	v14 =	vadd.f32 v14, v13  }
0x89: {  	v15 =	vnsel vm0, $0x0, v18;
	v13 =	vld.idx.msk [tilespmem:v11+s22+$0x10 ss:$0x1], $0xffff  }
0x8a: {  	vm0 =	vle.f32 v19, v12;
	v16 =	vadd.f32 v15, v14;
	v14 =	vld [tilespmem:s12+$0x20]  }
0x8b: {  	v17 =	vnsel vm0, $0x0, v20;
	v15 =	vld.idx.msk [tilespmem:v11+s22+$0x20 ss:$0x1], $0xffff  }
0x8c: {  	vm0 =	vle.f32 v21, v12;
	v19 =	vadd.f32 v17, v16;
	v16 =	vld [tilespmem:s12+$0x30]  }
0x8d: {  	v20 =	vnsel vm0, $0x0, v22;
	v17 =	vld.idx.msk [tilespmem:v11+s22+$0x30 ss:$0x1], $0xffff;
	s22 =	sadd.s32 $0x80, s12  }
0x8e: {  	s26 =	simm.s32 $0x400;
	s28 =	simm.s32 $0x2000;
	vm0 =	vle.f32 v23, v12;
	v18 =	vld [tilespmem:s22+$0xFFFFFFC0];
	v19 =	vadd.f32 v20, v19  }
.LBB2_16:
0x8f: {  	p0 =	sne.s32 s28, $0x7000;
	v20 =	vld.idx.msk [tilespmem:v11+s26+$0xFFFFFFC0 ss:$0x1], $0xffff;
	v13 =	vnsel vm0, $0x0, v13  }
0x90: {  	vm0 =	vle.f32 v14, v12;
	v21 =	vld [tilespmem:s22+$0xFFFFFFD0];
	v13 =	vadd.f32 v13, v19  }
0x91: {  	v15 =	vnsel vm0, $0x0, v15;
	v14 =	vld.idx.msk [tilespmem:v11+s26+$0xFFFFFFD0 ss:$0x1], $0xffff  }
0x92: {  	vm0 =	vle.f32 v16, v12;
	v19 =	vld [tilespmem:s22+$0xFFFFFFE0];
	v13 =	vadd.f32 v15, v13  }
0x93: {  	v16 =	vnsel vm0, $0x0, v17;
	v15 =	vld.idx.msk [tilespmem:v11+s26+$0xFFFFFFE0 ss:$0x1], $0xffff  }
0x94: {  	vm0 =	vle.f32 v18, v12;
	v17 =	vld [tilespmem:s22+$0xFFFFFFF0];
	v13 =	vadd.f32 v16, v13  }
0x95: {  	v16 =	vnsel vm0, $0x0, v20;
	v18 =	vld.idx.msk [tilespmem:v11+s26+$0xFFFFFFF0 ss:$0x1], $0xffff  }
0x96: {  	vm0 =	vle.f32 v21, v12;
	v13 =	vadd.f32 v16, v13;
	v16 =	vld [tilespmem:s22+$0x0]  }
0x97: {  	v14 =	vnsel vm0, $0x0, v14;
	v20 =	vld.idx.msk [tilespmem:v11+s26+$0x0 ss:$0x1], $0xffff  }
0x98: {  	vm0 =	vle.f32 v19, v12;
	v14 =	vadd.f32 v14, v13;
	v21 =	vld [tilespmem:s22+$0x10]  }
0x99: {  	v15 =	vnsel vm0, $0x0, v15;
	v13 =	vld.idx.msk [tilespmem:v11+s26+$0x10 ss:$0x1], $0xffff  }
.Ltmp5:
0x9a: {  	vm0 =	vle.f32 v17, v12;
	v19 =	vadd.f32 v15, v14;
	v14 =	vld [tilespmem:s22+$0x20];
	(pc) =	sbr.rel @p0 .LBB2_16-.Ltmp5, $4  }
0x9b: {  	v17 =	vnsel vm0, $0x0, v18;
	v15 =	vld.idx.msk [tilespmem:v11+s26+$0x20 ss:$0x1], $0xffff  }
0x9c: {  	vm0 =	vle.f32 v16, v12;
	v19 =	vadd.f32 v17, v19;
	v16 =	vld [tilespmem:s22+$0x30]  }
0x9d: {  	v20 =	vnsel vm0, $0x0, v20;
	s22 =	sadd.s32 $0x80, s22;
	v17 =	vld.idx.msk [tilespmem:v11+s26+$0x30 ss:$0x1], $0xffff  }
0x9e: {  	s26 =	sshra.s32 s28, $0x2;
	s28 =	sadd.s32 $0x1000, s28;
	vm0 =	vle.f32 v21, v12;
	v18 =	vld [tilespmem:s22+$0xFFFFFFC0];
	v19 =	vadd.f32 v20, v19  }
0x9f: {  	_ =	sdelay $0x2  }
0xa0: {  	v13 =	vnsel vm0, $0x0, v13  }
0xa1: {  	v20 =	vld.idx.msk [tilespmem:v11+s26+$0xFFFFFFC0 ss:$0x1], $0xffff;
	vm6 =	vle.f32 v14, v12;
	v13 =	vadd.f32 v13, v19  }
0xa2: {  	v46 =	vld [tilespmem:s22+$0xFFFFFFD0];
	v15 =	vnsel vm6, $0x0, v15  }
0xa3: {  	v47 =	vld.idx.msk [tilespmem:v11+s26+$0xFFFFFFD0 ss:$0x1], $0xffff;
	vm7 =	vle.f32 v16, v12;
	v13 =	vadd.f32 v15, v13  }
0xa4: {  	v48 =	vld [tilespmem:s22+$0xFFFFFFE0];
	v16 =	vnsel vm7, $0x0, v17  }
0xa5: {  	v49 =	vld.idx.msk [tilespmem:v11+s26+$0xFFFFFFE0 ss:$0x1], $0xffff;
	vm8 =	vle.f32 v18, v12;
	v13 =	vadd.f32 v16, v13  }
0xa6: {  	v50 =	vld [tilespmem:s22+$0xFFFFFFF0];
	v18 =	vnsel vm8, $0x0, v20  }
0xa7: {  	v51 =	vld.idx.msk [tilespmem:v11+s26+$0xFFFFFFF0 ss:$0x1], $0xffff;
	vm9 =	vle.f32 v46, v12;
	v13 =	vadd.f32 v18, v13  }
0xa8: {  	v52 =	vld [tilespmem:s22+$0x0];
	v53 =	vnsel vm9, $0x0, v47  }
0xa9: {  	v54 =	vld.idx.msk [tilespmem:v11+s26+$0x0 ss:$0x1], $0xffff;
	vm10 =	vle.f32 v48, v12;
	v13 =	vadd.f32 v53, v13  }
0xaa: {  	v55 =	vld [tilespmem:s22+$0x10];
	v17 =	vnsel vm10, $0x0, v49  }
0xab: {  	v56 =	vld.idx.msk [tilespmem:v11+s26+$0x10 ss:$0x1], $0xffff;
	vm11 =	vle.f32 v50, v12;
	v13 =	vadd.f32 v17, v13  }
0xac: {  	v57 =	vld [tilespmem:s22+$0x20];
	v58 =	vnsel vm11, $0x0, v51  }
0xad: {  	v59 =	vld.idx.msk [tilespmem:v11+s26+$0x20 ss:$0x1], $0xffff;
	vm12 =	vle.f32 v52, v12;
	v13 =	vadd.f32 v58, v13  }
0xae: {  	v60 =	vld [tilespmem:s22+$0x30];
	v61 =	vnsel vm12, $0x0, v54  }
0xaf: {  	v62 =	vld.idx.msk [tilespmem:v11+s26+$0x30 ss:$0x1], $0xffff;
	vm13 =	vle.f32 v55, v12;
	v13 =	vadd.f32 v61, v13  }
0xb0: {  	v15 =	vnsel vm13, $0x0, v56  }
0xb1: {  	vm14 =	vle.f32 v57, v12;
	v13 =	vadd.f32 v15, v13  }
0xb2: {  	v63 =	vnsel vm14, $0x0, v59  }
0xb3: {  	vm15 =	vle.f32 v60, v12;
	v13 =	vadd.f32 v63, v13  }
0xb4: {  	v12 =	vnsel vm15, $0x0, v62  }
0xb5: {  	v12 =	vadd.f32 v12, v13;
	_ =	sdelay $0x1  }
0xb6: {  	v13 =	vperm.xlane v12, v3;
	_ =	sdelay $0x1  }
0xb7: {  	v12 =	vadd.f32 v13, v12;
	_ =	sdelay $0x1  }
0xb8: {  	v13 =	vperm.xlane v12, v0;
	_ =	sdelay $0x1  }
0xb9: {  	v12 =	vadd.f32 v13, v12;
	_ =	sdelay $0x1  }
0xba: {  	v13 =	vperm.xlane v12, v1;
	_ =	sdelay $0x1  }
0xbb: {  	v12 =	vadd.f32 v13, v12;
	_ =	sdelay $0x1  }
0xbc: {  	v13 =	vperm.xlane v12, v2;
	_ =	sdelay $0x1  }
0xbd: {  	v12 =	vadd.f32 v13, v12;
	_ =	sdelay $0x1  }
0xbe: {  	(v2sf) =	vpush v12, $0x0;
	_ =	sdelay $0xc  }
0xbf: {  	s24 =	sadd.s32 $0x1, s24  }
0xc0: {  	p1 =	sne.s32 s24, $0xB  }
.Ltmp6:
0xc1: {  	s31 =	spop (v2sf);
	(pc) =	sbr.rel @p1 .LBB2_15-.Ltmp6, $4  }
0xc2: {  	p0 =	sge.f32 s31, s20  }
0xc3: {  	s22 =	smov.u32 s25  }
0xc4: {  	s22 =	smov.u32 @p0 s23  }
0xc5: {  	s21 =	smov.u32 @p0 s25;
	s23 =	smov.u32 s22  }
0xc6: {  	_ =	sdelay $0x2  }
0xc7: {  	s23 =	simm.s32 $0x0;
	v14 =	vld [tilespmem:s12+$0xFFFFFFC0]  }
0xc8: {  	v13 =	vld.idx.msk [tilespmem:v11+s23+$0xFFFFFFC0 ss:$0x1], $0xffff  }
0xc9: {  	v17 =	vld [tilespmem:s12+$0xFFFFFFD0]  }
0xca: {  	v15 =	vld.idx.msk [tilespmem:v11+s23+$0xFFFFFFD0 ss:$0x1], $0xffff  }
0xcb: {  	v19 =	vld [tilespmem:s12+$0xFFFFFFE0]  }
0xcc: {  	v18 =	vld.idx.msk [tilespmem:v11+s23+$0xFFFFFFE0 ss:$0x1], $0xffff  }
0xcd: {  	v12 =	vmov s22;
	v22 =	vld [tilespmem:s12+$0xFFFFFFF0];
	v16 =	vmul.f32 v13, v14  }
0xce: {  	v21 =	vimm.f32 $0.0e+00;
	v20 =	vld.idx.msk [tilespmem:v11+s23+$0xFFFFFFF0 ss:$0x1], $0xffff;
	vm0 =	vle.f32 v14, v12  }
0xcf: {  	v24 =	vld [tilespmem:s12+$0x0];
	v13 =	vnsel vm0, $0x0, v13;
	v23 =	vmul.f32 v15, v17;
	v14 =	vnsel vm0, $0x0, v16  }
0xd0: {  	v13 =	vadd.f32 v13, v21;
	v16 =	vld.idx.msk [tilespmem:v11+s23+$0x0 ss:$0x1], $0xffff;
	vm0 =	vle.f32 v17, v12;
	v21 =	vadd.f32 v14, v21  }
0xd1: {  	v15 =	vnsel vm0, $0x0, v15;
	v17 =	vnsel vm0, $0x0, v23;
	v23 =	vmul.f32 v18, v19;
	v14 =	vld.idx.msk [tilespmem:v11+s23+$0x10 ss:$0x1], $0xffff  }
0xd2: {  	vm0 =	vle.f32 v19, v12;
	v13 =	vadd.f32 v15, v13;
	v21 =	vadd.f32 v17, v21;
	v17 =	vld [tilespmem:s12+$0x10]  }
0xd3: {  	v18 =	vnsel vm0, $0x0, v18;
	v15 =	vld.idx.msk [tilespmem:v11+s23+$0x20 ss:$0x1], $0xffff;
	v19 =	vnsel vm0, $0x0, v23;
	v23 =	vmul.f32 v20, v22  }
0xd4: {  	vm0 =	vle.f32 v22, v12;
	v25 =	vadd.f32 v18, v13;
	v18 =	vld [tilespmem:s12+$0x20];
	v19 =	vadd.f32 v19, v21  }
0xd5: {  	v20 =	vnsel vm0, $0x0, v20;
	v13 =	vld.idx.msk [tilespmem:v11+s23+$0x30 ss:$0x1], $0xffff;
	v22 =	vnsel vm0, $0x0, v23;
	v21 =	vmul.f32 v16, v24  }
0xd6: {  	s24 =	simm.s32 $0x2000;
	s25 =	smov.u32 s12;
	s23 =	simm.s32 $0x400;
	vm0 =	vle.f32 v24, v12;
	v20 =	vadd.f32 v20, v25;
	v22 =	vadd.f32 v22, v19;
	v19 =	vld [tilespmem:s12+$0x30]  }
.LBB2_19:
0xd7: {  	p0 =	sne.s32 s24, $0x7000;
	v23 =	vld.idx.msk [tilespmem:v11+s23+$0xFFFFFFC0 ss:$0x1], $0xffff;
	v16 =	vnsel vm0, $0x0, v16;
	v21 =	vnsel vm0, $0x0, v21;
	v24 =	vmul.f32 v14, v17;
	s25 =	sadd.s32 $0x80, s25  }
0xd8: {  	vm0 =	vle.f32 v17, v12;
	v25 =	vld [tilespmem:s25+$0xFFFFFFC0];
	v16 =	vadd.f32 v16, v20;
	v20 =	vadd.f32 v21, v22  }
0xd9: {  	v14 =	vnsel vm0, $0x0, v14;
	v17 =	vld.idx.msk [tilespmem:v11+s23+$0xFFFFFFD0 ss:$0x1], $0xffff;
	v21 =	vnsel vm0, $0x0, v24;
	v22 =	vmul.f32 v15, v18  }
0xda: {  	vm0 =	vle.f32 v18, v12;
	v24 =	vld [tilespmem:s25+$0xFFFFFFD0];
	v14 =	vadd.f32 v14, v16;
	v16 =	vadd.f32 v21, v20  }
0xdb: {  	v15 =	vnsel vm0, $0x0, v15;
	v18 =	vld.idx.msk [tilespmem:v11+s23+$0xFFFFFFE0 ss:$0x1], $0xffff;
	v20 =	vnsel vm0, $0x0, v22;
	v21 =	vmul.f32 v13, v19  }
0xdc: {  	vm0 =	vle.f32 v19, v12;
	v22 =	vld [tilespmem:s25+$0xFFFFFFE0];
	v14 =	vadd.f32 v15, v14;
	v15 =	vadd.f32 v20, v16  }
0xdd: {  	v13 =	vnsel vm0, $0x0, v13;
	v16 =	vmul.f32 v23, v25;
	v19 =	vld.idx.msk [tilespmem:v11+s23+$0xFFFFFFF0 ss:$0x1], $0xffff;
	v20 =	vnsel vm0, $0x0, v21  }
0xde: {  	vm0 =	vle.f32 v25, v12;
	v21 =	vld [tilespmem:s25+$0xFFFFFFF0];
	v13 =	vadd.f32 v13, v14;
	v14 =	vadd.f32 v20, v15  }
0xdf: {  	v15 =	vnsel vm0, $0x0, v23;
	v20 =	vnsel vm0, $0x0, v16;
	v23 =	vmul.f32 v17, v24;
	v16 =	vld.idx.msk [tilespmem:v11+s23+$0x0 ss:$0x1], $0xffff  }
0xe0: {  	vm0 =	vle.f32 v24, v12;
	v13 =	vadd.f32 v15, v13;
	v15 =	vadd.f32 v20, v14;
	v24 =	vld [tilespmem:s25+$0x0]  }
0xe1: {  	v17 =	vnsel vm0, $0x0, v17;
	v20 =	vnsel vm0, $0x0, v23;
	v23 =	vmul.f32 v18, v22;
	v14 =	vld.idx.msk [tilespmem:v11+s23+$0x10 ss:$0x1], $0xffff  }
.Ltmp7:
0xe2: {  	vm0 =	vle.f32 v22, v12;
	v13 =	vadd.f32 v17, v13;
	v20 =	vadd.f32 v20, v15;
	v17 =	vld [tilespmem:s25+$0x10];
	(pc) =	sbr.rel @p0 .LBB2_19-.Ltmp7, $4  }
0xe3: {  	v18 =	vnsel vm0, $0x0, v18;
	v22 =	vnsel vm0, $0x0, v23;
	v23 =	vmul.f32 v19, v21;
	v15 =	vld.idx.msk [tilespmem:v11+s23+$0x20 ss:$0x1], $0xffff  }
0xe4: {  	vm0 =	vle.f32 v21, v12;
	v25 =	vadd.f32 v18, v13;
	v22 =	vadd.f32 v22, v20;
	v18 =	vld [tilespmem:s25+$0x20]  }
0xe5: {  	v19 =	vnsel vm0, $0x0, v19;
	v23 =	vnsel vm0, $0x0, v23;
	v21 =	vmul.f32 v16, v24;
	v13 =	vld.idx.msk [tilespmem:v11+s23+$0x30 ss:$0x1], $0xffff  }
0xe6: {  	s23 =	sshra.s32 s24, $0x2;
	s24 =	sadd.s32 $0x1000, s24;
	vm0 =	vle.f32 v24, v12;
	v20 =	vadd.f32 v19, v25;
	v22 =	vadd.f32 v23, v22;
	v19 =	vld [tilespmem:s25+$0x30]  }
0xe7: {  	_ =	sdelay $0x3  }
0xe8: {  	v23 =	vld.idx.msk [tilespmem:v11+s23+$0xFFFFFFC0 ss:$0x1], $0xffff;
	v21 =	vnsel vm0, $0x0, v21;
	v24 =	vmul.f32 v14, v17;
	s24 =	sadd.s32 $0x80, s25  }
0xe9: {  	v16 =	vnsel vm0, $0x0, v16;
	vm4 =	vle.f32 v17, v12;
	v25 =	vld [tilespmem:s24+$0xFFFFFFC0];
	v21 =	vadd.f32 v21, v22  }
0xea: {  	v62 =	vld.idx.msk [tilespmem:v11+s23+$0xFFFFFFD0 ss:$0x1], $0xffff;
	v16 =	vadd.f32 v16, v20;
	v63 =	vnsel vm4, $0x0, v24;
	v28 =	vmul.f32 v15, v18  }
0xeb: {  	v29 =	vnsel vm4, $0x0, v14;
	v30 =	vld [tilespmem:s24+$0xFFFFFFD0];
	vm5 =	vle.f32 v18, v12;
	v20 =	vadd.f32 v63, v21  }
0xec: {  	v31 =	vld.idx.msk [tilespmem:v11+s23+$0xFFFFFFE0 ss:$0x1], $0xffff;
	v14 =	vadd.f32 v29, v16;
	v18 =	vnsel vm5, $0x0, v28;
	v32 =	vmul.f32 v13, v19  }
0xed: {  	v34 =	vld [tilespmem:s24+$0xFFFFFFE0];
	v33 =	vnsel vm5, $0x0, v15;
	vm6 =	vle.f32 v19, v12;
	v18 =	vadd.f32 v18, v20  }
0xee: {  	v36 =	vld.idx.msk [tilespmem:v11+s23+$0xFFFFFFF0 ss:$0x1], $0xffff;
	v14 =	vadd.f32 v33, v14;
	v35 =	vmul.f32 v23, v25;
	v37 =	vnsel vm6, $0x0, v32  }
0xef: {  	v39 =	vld [tilespmem:s24+$0xFFFFFFF0];
	v38 =	vnsel vm6, $0x0, v13;
	vm7 =	vle.f32 v25, v12;
	v18 =	vadd.f32 v37, v18  }
0xf0: {  	v42 =	vld.idx.msk [tilespmem:v11+s23+$0x0 ss:$0x1], $0xffff;
	v41 =	vmul.f32 v62, v30;
	v13 =	vadd.f32 v38, v14;
	v40 =	vnsel vm7, $0x0, v35  }
0xf1: {  	v43 =	vld [tilespmem:s24+$0x0];
	vm8 =	vle.f32 v30, v12;
	v23 =	vnsel vm7, $0x0, v23;
	v14 =	vadd.f32 v40, v18  }
0xf2: {  	v45 =	vld.idx.msk [tilespmem:v11+s23+$0x10 ss:$0x1], $0xffff;
	v44 =	vmul.f32 v31, v34;
	v15 =	vnsel vm8, $0x0, v41;
	v13 =	vadd.f32 v23, v13  }
0xf3: {  	v46 =	vld [tilespmem:s24+$0x10];
	vm9 =	vle.f32 v34, v12;
	v17 =	vnsel vm8, $0x0, v62;
	v14 =	vadd.f32 v15, v14  }
0xf4: {  	v49 =	vld.idx.msk [tilespmem:v11+s23+$0x20 ss:$0x1], $0xffff;
	v48 =	vmul.f32 v36, v39;
	v47 =	vnsel vm9, $0x0, v44;
	v13 =	vadd.f32 v17, v13  }
0xf5: {  	v50 =	vld [tilespmem:s24+$0x20];
	vm10 =	vle.f32 v39, v12;
	v16 =	vnsel vm9, $0x0, v31;
	v14 =	vadd.f32 v47, v14  }
0xf6: {  	v11 =	vld.idx.msk [tilespmem:v11+s23+$0x30 ss:$0x1], $0xffff;
	v52 =	vmul.f32 v42, v43;
	v51 =	vnsel vm10, $0x0, v48;
	v13 =	vadd.f32 v16, v13  }
0xf7: {  	v53 =	vld [tilespmem:s24+$0x30];
	vm11 =	vle.f32 v43, v12;
	v19 =	vnsel vm10, $0x0, v36;
	v14 =	vadd.f32 v51, v14  }
0xf8: {  	v54 =	vmul.f32 v45, v46;
	v18 =	vnsel vm11, $0x0, v52;
	v13 =	vadd.f32 v19, v13  }
0xf9: {  	vm12 =	vle.f32 v46, v12;
	v20 =	vnsel vm11, $0x0, v42;
	v14 =	vadd.f32 v18, v14  }
0xfa: {  	v55 =	vmul.f32 v49, v50;
	v15 =	vnsel vm12, $0x0, v54;
	v13 =	vadd.f32 v20, v13  }
0xfb: {  	vm13 =	vle.f32 v50, v12;
	v56 =	vnsel vm12, $0x0, v45;
	v14 =	vadd.f32 v15, v14  }
0xfc: {  	v58 =	vmul.f32 v11, v53;
	v57 =	vnsel vm13, $0x0, v55;
	v13 =	vadd.f32 v56, v13  }
0xfd: {  	vm14 =	vle.f32 v53, v12;
	v59 =	vnsel vm13, $0x0, v49;
	v14 =	vadd.f32 v57, v14  }
0xfe: {  	v61 =	vnsel vm14, $0x0, v58;
	v60 =	vadd.f32 v59, v13  }
0xff: {  	v11 =	vnsel vm14, $0x0, v11;
	v13 =	vadd.f32 v61, v14  }
0x100: {  	v11 =	vadd.f32 v11, v60  }
0x101: {  	v62 =	vperm.xlane v13, v3  }
0x102: {  	v63 =	vperm.xlane v11, v3  }
0x103: {  	v12 =	vadd.f32 v62, v13  }
0x104: {  	v11 =	vadd.f32 v63, v11  }
0x105: {  	v13 =	vperm.xlane v12, v4  }
0x106: {  	v14 =	vperm.xlane v11, v4  }
0x107: {  	v12 =	vadd.f32 v13, v12  }
0x108: {  	v11 =	vadd.f32 v14, v11  }
0x109: {  	v13 =	vperm.xlane v12, v5  }
0x10a: {  	v14 =	vperm.xlane v11, v5  }
0x10b: {  	v12 =	vadd.f32 v13, v12  }
0x10c: {  	v11 =	vadd.f32 v14, v11  }
0x10d: {  	v13 =	vperm.xlane v12, v6  }
0x10e: {  	v14 =	vperm.xlane v11, v6  }
0x10f: {  	v12 =	vadd.f32 v13, v12  }
0x110: {  	v11 =	vadd.f32 v14, v11  }
0x111: {  	(v2sf) =	vpush v12, $0x0  }
0x112: {  	(v2sf) =	vpush v11, $0x0;
	_ =	sdelay $0xd  }
0x113: {  	s21 =	sadd.f32 s21, s22;
	s30 =	spop (v2sf)  }
0x114: {  	s31 =	spop (v2sf)  }
0x115: {  	s21 =	smul.f32 $5.000000000e-01, s21;
	s22 =	ssub.f32 s20, s31  }
0x116: {  	v11 =	vmov s19;
	s19 =	sadd.s32 $0x1, s19  }
0x117: {  	p0 =	sne.s32 s19, $0x10;
	s21 =	smul.f32 s22, s21  }
.Ltmp8:
0x118: {  	_ = 	snop;
	(pc) =	sbr.rel @p0 .LBB2_14-.Ltmp8, $3  }
0x119: {  	s21 =	sadd.f32 s21, s30;
	_ =	sdelay $0x1  }
0x11a: {  	vm15 =	veq.s32 v11, v7;
	s21 =	smax.f32 s21, $0.0e+00  }
0x11b: {  	s18 =	sadd.s32 $0x400, s18;
	s17 =	sadd.s32 $0x1, s17;
	v9 =	vsel vm15, s20, v9;
	v10 =	vsel vm15, s21, v10  }
0x11c: {  	(erf) = vrcp.f32 v9;
	_ =	sdelay $0x8  }
0x11d: {  	v9 =	vpop (erf)  }
0x11e: {  	v9 =	vmul.f32 v9, v10;
	_ =	sdelay $0x1  }
0x11f: {  	v10 =	vmul.f32 $5.000000000e-01, v9;
	_ =	sdelay $0x1  }
0x120: {  	v10 =	vadd.f32 $2.500000000e-01, v10;
	_ =	sdelay $0x1  }
0x121: {  	(erf) = vrcp.f32 v10;
	_ =	sdelay $0x8  }
0x122: {  	v11 =	vpop (erf)  }
0x123: {  	v11 =	vmul.f32 v11, v9;
	_ =	sdelay $0x1  }
0x124: {  	v10 =	vadd.f32 v11, v10;
	_ =	sdelay $0x1  }
0x125: {  	v10 =	vmul.f32 $5.000000000e-01, v10;
	_ =	sdelay $0x1  }
0x126: {  	(erf) = vrcp.f32 v10;
	_ =	sdelay $0x8  }
0x127: {  	v11 =	vpop (erf)  }
0x128: {  	v11 =	vmul.f32 v11, v9;
	_ =	sdelay $0x1  }
0x129: {  	v10 =	vadd.f32 v11, v10;
	_ =	sdelay $0x1  }
0x12a: {  	v10 =	vmul.f32 $5.000000000e-01, v10;
	_ =	sdelay $0x1  }
0x12b: {  	(erf) = vrcp.f32 v10;
	_ =	sdelay $0x8  }
0x12c: {  	v11 =	vpop (erf)  }
0x12d: {  	v11 =	vmul.f32 v11, v9;
	_ =	sdelay $0x1  }
0x12e: {  	v10 =	vadd.f32 v11, v10;
	_ =	sdelay $0x1  }
0x12f: {  	v10 =	vmul.f32 $5.000000000e-01, v10;
	_ =	sdelay $0x1  }
0x130: {  	(erf) = vrcp.f32 v10;
	_ =	sdelay $0x8  }
0x131: {  	v11 =	vpop (erf)  }
0x132: {  	v11 =	vmul.f32 v11, v9;
	_ =	sdelay $0x1  }
0x133: {  	v10 =	vadd.f32 v11, v10;
	_ =	sdelay $0x1  }
0x134: {  	v10 =	vmul.f32 $5.000000000e-01, v10;
	_ =	sdelay $0x1  }
0x135: {  	(erf) = vrcp.f32 v10;
	_ =	sdelay $0x8  }
0x136: {  	v11 =	vpop (erf)  }
0x137: {  	v11 =	vmul.f32 v11, v9;
	_ =	sdelay $0x1  }
0x138: {  	v10 =	vadd.f32 v11, v10;
	_ =	sdelay $0x1  }
0x139: {  	v10 =	vmul.f32 $5.000000000e-01, v10;
	_ =	sdelay $0x1  }
0x13a: {  	(erf) = vrcp.f32 v10;
	_ =	sdelay $0x8  }
0x13b: {  	v11 =	vpop (erf)  }
0x13c: {  	v11 =	vmul.f32 v11, v9;
	_ =	sdelay $0x1  }
0x13d: {  	v10 =	vadd.f32 v11, v10;
	_ =	sdelay $0x1  }
0x13e: {  	v10 =	vmul.f32 $5.000000000e-01, v10;
	_ =	sdelay $0x1  }
0x13f: {  	(erf) = vrcp.f32 v10;
	_ =	sdelay $0x8  }
0x140: {  	v11 =	vpop (erf)  }
0x141: {  	v11 =	vmul.f32 v11, v9;
	_ =	sdelay $0x1  }
0x142: {  	v10 =	vadd.f32 v11, v10;
	_ =	sdelay $0x1  }
0x143: {  	v10 =	vmul.f32 $5.000000000e-01, v10;
	_ =	sdelay $0x1  }
0x144: {  	(erf) = vrcp.f32 v10;
	_ =	sdelay $0x8  }
0x145: {  	v11 =	vpop (erf)  }
0x146: {  	s15 =	sadd.s32 $0x1, s15;
	v9 =	vmul.f32 v11, v9  }
0x147: {  	p0 =	sne.s32 s15, $0x3  }
.Ltmp9:
0x148: {  	v9 =	vadd.f32 v9, v10;
	(pc) =	sbr.rel @p0 .LBB2_13-.Ltmp9, $4  }
0x149: {  	_ = 	snop  }
0x14a: {  	v9 =	vmul.f32 $5.000000000e-01, v9  }
0x14b: {  	s16 =	sand.u32 $0x3FFFFFF0, s16  }
0x14c: {  	s14 =	sadd.s32 $0x4000, s14;
	[tilespmem:v8+s16+$0x0 ss:$0x1] =	vst.idx.msk $0xffff, v9  }
0x14d: {  	s11 =	sadd.s32 $0x1, s11  }
0x14e: {  	p0 =	sne.s32 s11, $0x3  }
.Ltmp10:
0x14f: {  	_ = 	snop;
	(pc) =	sbr.rel @p0 .LBB2_12-.Ltmp10, $2  }
0x150: {  	_ =	sdelay $0x2  }
0x151: {  	s12 =	sadd.s32 $0x400, s12  }
0x152: {  	s10 =	sadd.s32 $0x1, s10  }
0x153: {  	p0 =	sne.s32 s10, s6  }
.Ltmp11:
0x154: {  	_ = 	snop;
	(pc) =	sbr.rel @p0 .LBB2_1-.Ltmp11, $4  }
0x155: {  	[hbm4b:s5+s2] =	stream.linear.scatter [tilespmem:s9], [sflag:$0x1], $0x90, $0x38;
	[tilespmem:$0xCD00] =	vst v63  }
0x156: {  	_ =	swait.ge [sflag:s7], $0x90  }
0x157: {  	[sflag:s7] =	ssyncset.done $0x0  }
0x158: {  	[sflag:s7] =	ssyncadd.s32 $0xFFFFFF70  }
0x159: {  	_ =	sfence.sel $0x180000  }
0x15a: {  	[bflag:$0x0] =	sbarrier.arrive $0xFFFF  }
0x15b: {  	p0 =	sne.s32 s0, $0x0;
	_ =	strace $0x90000047  }
0x15c: {  	s0 =	sadd.s32 @!p0 $0x100000, s1;
	[bflag:$0x2] =	sbarrier.arrive $0xFFFF  }
0x15d: {  	[sflag:s0] =	ssyncadd.tile.s32 @!p0 $0x1;
	_ =	shalt  }
.Lfunc_end2:
_tile_overlayer_lowered:
.L_overlay_start_2:
0x15e: {  	(tag) =	ssettag $0x2  }
0x15f: {  	s0 =	rddreg [dreg:$0x0];
	s2 =	stileid.u32  }
0x160: {  	s1 =	rddreg [dreg:$0x1];
	p0 =	sne.s32 s2, $0x0  }
0x161: {  	s3 =	rddreg [dreg:$0x2];
	[bflag:$0x3] =	sbarrier.arrive $0xFFFF;
	s2 =	simm.s32 @!p0 $0x1C01  }
0x162: {  	[timem:s3], [sflag:s2] =	dma.local @!p0 [hbm:s0], s1  }
0x163: {  	s0 =	simm.s32 @!p0 $0x1  }
0x164: {  	_ =	swait.ge @!p0 [sflag:s0], s1  }
0x165: {  	s1 =	ssub.s32 @!p0 $0x0, s1;
	[sflag:s0] =	ssyncset.done @!p0 $0x0  }
0x166: {  	[sflag:s0] =	ssyncadd.s32 @!p0 s1  }
0x167: {  	[bflag:$0x3] =	sbarrier.arrive $0xFFFF  }
0x168: {  	_ =	shalt  }

</sc_bundles>
